<compile_context>
chip_gen: v7x
topology: tpu7x:2x2x1
jax: 0.10.2.dev20260603
libtpu: 0.0.44.dev20260713+nightly
codegen_flags: <defaults>
</compile_context>

<pallas_src>
import jax
import jax.numpy as jnp
from jax import lax
from jax.experimental import pallas as pl
from jax.experimental.pallas import tpu as pltpu
from jax.experimental.pallas import tpu_sc as plsc

_N_HEADS = 8
_MAX_DIST = 512

_NC = 2
_NS = 16
_NW = _NC * _NS
_LANES = 16

_SLAB = 4096
_HALF_OUT = _SLAB * _N_HEADS // 2
_TROWS = _MAX_DIST + 2
_TWORDS = _TROWS * _N_HEADS
_TSTRIDE = _TWORDS + 1


def _body(dist_hbm, table_hbm, out_hbm, table16, idx0, idx1, out0, out1,
          isem0, isem1, osem0, osem1):
    wid = lax.axis_index("s") * _NC + lax.axis_index("c")
    n_slabs = dist_hbm.shape[0] // _SLAB
    per_w = n_slabs // _NW
    s0 = wid * per_w

    iota = lax.iota(jnp.int32, _LANES)
    loff = iota * _TSTRIDE

    pltpu.sync_copy(table_hbm, out0.at[pl.ds(0, _TWORDS)])

    def fill_step(w, carry):
        vals = out0[pl.ds(w * _LANES, _LANES)]
        base = iota + w * _LANES
        for c in range(_LANES):
            plsc.store_scatter(table16, [base + c * _TSTRIDE], vals)
        return carry

    lax.fori_loop(0, _TWORDS // _LANES, fill_step, 0)

    idx_bufs = (idx0, idx1)
    isems = (isem0, isem1)
    out_bufs = (out0, out1)
    osems = (osem0, osem1)

    def idx_copy(s, p):
        return pltpu.make_async_copy(
            dist_hbm.at[pl.ds((s0 + s) * _SLAB, _SLAB)], idx_bufs[p], isems[p]
        )

    def out_copy(s, q, r):
        off = (s0 + s) * _SLAB * _N_HEADS + q * _HALF_OUT
        return pltpu.make_async_copy(
            out_bufs[r], out_hbm.at[pl.ds(off, _HALF_OUT)], osems[r]
        )

    def out_drain(r):
        pltpu.make_async_copy(
            out_bufs[r], out_hbm.at[pl.ds(0, _HALF_OUT)], osems[r]
        ).wait()

    def compute_half(idx_v, out_v, q):
        @plsc.parallel_loop(0, _SLAB // _LANES // 2, unroll=4)
        def group_step(g):
            jt = lax.shift_right_logical(g, 5)
            il_rel = lax.bitwise_and(lax.shift_right_logical(g, 3), 3)
            k16 = lax.shift_left(lax.bitwise_and(g, 7), 4)
            in_base = lax.shift_left(jt * 8 + (il_rel + 4 * q), 7) + k16
            out_base = lax.shift_left(il_rel * 4 + jt, 10) + k16
            ivec = idx_v[pl.ds(in_base, _LANES)]
            addr = loff + lax.shift_left(
                jnp.minimum(jnp.maximum(ivec, -1), _MAX_DIST) + 1, 3
            )
            for h in range(_N_HEADS):
                vals = plsc.load_gather(table16, [addr + h])
                out_v[pl.ds(out_base + h * 128, _LANES)] = vals

    idx_copy(0, 0).start()

    @pl.loop(0, per_w, step=2)
    def slab_pair(s2):
        pltpu.make_async_copy(
            dist_hbm.at[pl.ds(0, _SLAB)], idx_bufs[0], isems[0]
        ).wait()
        idx_copy(s2 + 1, 1).start()
        for q in range(2):
            @pl.when(s2 > 0)
            def _():
                out_drain(q)
            compute_half(idx_bufs[0], out_bufs[q], q)
            out_copy(s2, q, q).start()
        pltpu.make_async_copy(
            dist_hbm.at[pl.ds(0, _SLAB)], idx_bufs[1], isems[1]
        ).wait()

        @pl.when(s2 + 2 < per_w)
        def _():
            idx_copy(s2 + 2, 0).start()

        for q in range(2):
            out_drain(q)
            compute_half(idx_bufs[1], out_bufs[q], q)
            out_copy(s2 + 1, q, q).start()

    out_drain(0)
    out_drain(1)


def kernel(dist, table):
    b, n_i, n_j = dist.shape
    n = dist.size
    dist_flat = (
        dist.reshape(b, n_i // 8, 8, n_j // 128, 128)
        .transpose(0, 1, 3, 2, 4)
        .reshape(n)
    )

    mesh = plsc.VectorSubcoreMesh(core_axis_name="c", subcore_axis_name="s")
    run = pl.kernel(
        _body,
        out_type=jax.ShapeDtypeStruct((n * _N_HEADS,), jnp.float32),
        mesh=mesh,
        compiler_params=pltpu.CompilerParams(needs_layout_passes=False),
        scratch_types=[
            pltpu.VMEM((_TSTRIDE * _LANES,), jnp.float32),
            pltpu.VMEM((_SLAB,), jnp.int32),
            pltpu.VMEM((_SLAB,), jnp.int32),
            pltpu.VMEM((_HALF_OUT,), jnp.float32),
            pltpu.VMEM((_HALF_OUT,), jnp.float32),
            pltpu.SemaphoreType.DMA,
            pltpu.SemaphoreType.DMA,
            pltpu.SemaphoreType.DMA,
            pltpu.SemaphoreType.DMA,
        ],
    )
    out_flat = run(dist_flat, table.reshape(-1))
    out = (
        out_flat.reshape(b, n_i, n_j // 128, _N_HEADS, 128)
        .transpose(0, 1, 2, 4, 3)
        .reshape(b, n_i, n_j, _N_HEADS)
    )
    return out

# --- scband reference (transcript-rebuilt; emitter-appended) ---
"""Pipeline reference for scband-spatial-encoder-87273735455062 (READ-ONLY COPY).

The authoritative reference and input builder live on the scoring server;
editing this copy changes nothing except your own understanding.
"""

import jax, jax.numpy as jnp
import numpy as np

MAX_NUM_NODES = 512
N_HEADS = 8
MAX_DIST = 512


def setup_inputs(seed: int = 0) -> dict:
    key = jax.random.key(seed)
    k1, k2 = jax.random.split(key)
    dist = jax.random.randint(k1, (64, 512, 512), 0, 512).astype(jnp.int32)
    table = jax.random.normal(k2, (MAX_NUM_NODES + 2, N_HEADS), dtype=jnp.float32)
    # padding_idx=0: row 0 is zeros
    table = table.at[0].set(0.0)
    return {"dist": dist, "table": table}


def reference(dist, table):
    idx = jnp.clip(dist, -1, MAX_DIST) + 1
    spatial_encoding = jnp.take(table, idx, axis=0)
    return spatial_encoding

if __name__ == "__main__":
    import jax
    _d = setup_inputs()
    print(jax.jit(kernel)(*tuple(_d.values())))

</pallas_src>

<mosaic_0001>
#map = affine_map<(d0, d1) -> (0)>
module attributes {stable_mosaic.version = 14 : i64} {
  func.func @_body(%arg0: i32, %arg1: i32, %arg2: memref<16777216xi32, #tpu.memory_space<hbm>>, %arg3: memref<4112xf32, #tpu.memory_space<hbm>>, %arg4: memref<134217728xf32, #tpu.memory_space<hbm>>, %arg5: memref<65808xf32, #tpu.memory_space<vmem>>, %arg6: memref<4096xi32, #tpu.memory_space<vmem>>, %arg7: memref<4096xi32, #tpu.memory_space<vmem>>, %arg8: memref<16384xf32, #tpu.memory_space<vmem>>, %arg9: memref<16384xf32, #tpu.memory_space<vmem>>, %arg10: memref<!tpu.dma_semaphore, #tpu.memory_space<semaphore_mem>>, %arg11: memref<!tpu.dma_semaphore, #tpu.memory_space<semaphore_mem>>, %arg12: memref<!tpu.dma_semaphore, #tpu.memory_space<semaphore_mem>>, %arg13: memref<!tpu.dma_semaphore, #tpu.memory_space<semaphore_mem>>) attributes {dimension_semantics = [#tpu.dimension_semantics<core_parallel>, #tpu.dimension_semantics<subcore_parallel>], iteration_bounds = array<i64: 2, 16>, scalar_prefetch = 0 : i64, scratch_operands = 9 : i64, tpu.core_type = #tpu.core_type<sc_vector_subcore>, window_params = [{transform_indices = #map}, {transform_indices = #map}, {transform_indices = #map}]} {
    %mul3A = arith.constant 2 : i32
    %mul3A_0 = arith.muli %arg1, %mul3A : i32
    %add3A = arith.addi %mul3A_0, %arg0 : i32
    %mul3A_1 = arith.constant 128 : i32
    %mul3A_2 = arith.muli %add3A, %mul3A_1 : i32
    %iota3A = tpu.iota {dimensions = array<i32: 0>} : vector<16xi32>
    %mul3A_3 = arith.constant 4113 : i32
    %mul3A_4 = vector.broadcast %mul3A_3 : i32 to vector<16xi32>
    %mul3A_5 = arith.muli %iota3A, %mul3A_4 : vector<16xi32>
    "tpu.region"() ({
      %run_scoped3A = tpu.sem_alloc : memref<!tpu.dma_semaphore, #tpu.memory_space<semaphore_mem>>
      %dma_start3A_28 = arith.constant 0 : i32
      %dma_start3A_29 = tpu.memref_slice %arg8[%dma_start3A_28] : memref<16384xf32, #tpu.memory_space<vmem>> -> memref<4112xf32, #tpu.memory_space<vmem>>
      %dma_start3A_30 = arith.constant 0 : i32
      %dma_start3A_31 = tpu.memref_slice %arg8[%dma_start3A_30] : memref<16384xf32, #tpu.memory_space<vmem>> -> memref<4112xf32, #tpu.memory_space<vmem>>
      tpu.enqueue_dma source(%arg3 : memref<4112xf32, #tpu.memory_space<hbm>>) target(%dma_start3A_31 : memref<4112xf32, #tpu.memory_space<vmem>>) target_semaphore(%run_scoped3A : memref<!tpu.dma_semaphore, #tpu.memory_space<semaphore_mem>>)
      %dma_wait3A_32 = arith.constant 0 : i32
      %dma_wait3A_33 = tpu.memref_slice %arg8[%dma_wait3A_32] : memref<16384xf32, #tpu.memory_space<vmem>> -> memref<4112xf32, #tpu.memory_space<vmem>>
      %dma_wait3A_34 = arith.constant 0 : i32
      %dma_wait3A_35 = tpu.memref_slice %arg8[%dma_wait3A_34] : memref<16384xf32, #tpu.memory_space<vmem>> -> memref<4112xf32, #tpu.memory_space<vmem>>
      tpu.wait_dma2 semaphore(%run_scoped3A : memref<!tpu.dma_semaphore, #tpu.memory_space<semaphore_mem>>) src(%arg3 : memref<4112xf32, #tpu.memory_space<hbm>>) dst(%dma_wait3A_35 : memref<4112xf32, #tpu.memory_space<vmem>>)
      tpu.yield
    }) : () -> ()
    %scan3A = arith.constant 0 : i32
    %scan3A_6 = arith.constant 0 : i32
    %scan3A_7 = arith.constant 257 : i32
    %scan3A_8 = arith.addi %scan3A_6, %scan3A_7 : i32
    %scan3A_9 = arith.constant 1 : i32
    scf.for %scan3A_28 = %scan3A_6 to %scan3A_8 step %scan3A_9  : i32 {
      %mul3A_29 = arith.constant 16 : i32
      %mul3A_30 = arith.muli %scan3A_28, %mul3A_29 : i32
      %get3A = arith.index_cast %mul3A_30 : i32 to index
      %get3A_31 = tpu.vector_load %arg8[%get3A] {strides = array<i32>} : memref<16384xf32, #tpu.memory_space<vmem>>, vector<16xf32>,
      %mul3A_32 = arith.constant 16 : i32
      %mul3A_33 = arith.muli %scan3A_28, %mul3A_32 : i32
      %add3A_34 = vector.broadcast %mul3A_33 : i32 to vector<16xi32>
      %add3A_35 = arith.addi %iota3A, %add3A_34 : vector<16xi32>
      %add3A_36 = arith.constant 0 : i32
      %add3A_37 = vector.broadcast %add3A_36 : i32 to vector<16xi32>
      %add3A_38 = arith.addi %add3A_35, %add3A_37 : vector<16xi32>
      tpu.vector_store_idx %arg5[%add3A_38], %get3A_31 : memref<65808xf32, #tpu.memory_space<vmem>>[vector<16xi32>], vector<16xf32>,
      %add3A_39 = arith.constant 4113 : i32
      %add3A_40 = vector.broadcast %add3A_39 : i32 to vector<16xi32>
      %add3A_41 = arith.addi %add3A_35, %add3A_40 : vector<16xi32>
      tpu.vector_store_idx %arg5[%add3A_41], %get3A_31 : memref<65808xf32, #tpu.memory_space<vmem>>[vector<16xi32>], vector<16xf32>,
      %add3A_42 = arith.constant 8226 : i32
      %add3A_43 = vector.broadcast %add3A_42 : i32 to vector<16xi32>
      %add3A_44 = arith.addi %add3A_35, %add3A_43 : vector<16xi32>
      tpu.vector_store_idx %arg5[%add3A_44], %get3A_31 : memref<65808xf32, #tpu.memory_space<vmem>>[vector<16xi32>], vector<16xf32>,
      %add3A_45 = arith.constant 12339 : i32
      %add3A_46 = vector.broadcast %add3A_45 : i32 to vector<16xi32>
      %add3A_47 = arith.addi %add3A_35, %add3A_46 : vector<16xi32>
      tpu.vector_store_idx %arg5[%add3A_47], %get3A_31 : memref<65808xf32, #tpu.memory_space<vmem>>[vector<16xi32>], vector<16xf32>,
      %add3A_48 = arith.constant 16452 : i32
      %add3A_49 = vector.broadcast %add3A_48 : i32 to vector<16xi32>
      %add3A_50 = arith.addi %add3A_35, %add3A_49 : vector<16xi32>
      tpu.vector_store_idx %arg5[%add3A_50], %get3A_31 : memref<65808xf32, #tpu.memory_space<vmem>>[vector<16xi32>], vector<16xf32>,
      %add3A_51 = arith.constant 20565 : i32
      %add3A_52 = vector.broadcast %add3A_51 : i32 to vector<16xi32>
      %add3A_53 = arith.addi %add3A_35, %add3A_52 : vector<16xi32>
      tpu.vector_store_idx %arg5[%add3A_53], %get3A_31 : memref<65808xf32, #tpu.memory_space<vmem>>[vector<16xi32>], vector<16xf32>,
      %add3A_54 = arith.constant 24678 : i32
      %add3A_55 = vector.broadcast %add3A_54 : i32 to vector<16xi32>
      %add3A_56 = arith.addi %add3A_35, %add3A_55 : vector<16xi32>
      tpu.vector_store_idx %arg5[%add3A_56], %get3A_31 : memref<65808xf32, #tpu.memory_space<vmem>>[vector<16xi32>], vector<16xf32>,
      %add3A_57 = arith.constant 28791 : i32
      %add3A_58 = vector.broadcast %add3A_57 : i32 to vector<16xi32>
      %add3A_59 = arith.addi %add3A_35, %add3A_58 : vector<16xi32>
      tpu.vector_store_idx %arg5[%add3A_59], %get3A_31 : memref<65808xf32, #tpu.memory_space<vmem>>[vector<16xi32>], vector<16xf32>,
      %add3A_60 = arith.constant 32904 : i32
      %add3A_61 = vector.broadcast %add3A_60 : i32 to vector<16xi32>
      %add3A_62 = arith.addi %add3A_35, %add3A_61 : vector<16xi32>
      tpu.vector_store_idx %arg5[%add3A_62], %get3A_31 : memref<65808xf32, #tpu.memory_space<vmem>>[vector<16xi32>], vector<16xf32>,
      %add3A_63 = arith.constant 37017 : i32
      %add3A_64 = vector.broadcast %add3A_63 : i32 to vector<16xi32>
      %add3A_65 = arith.addi %add3A_35, %add3A_64 : vector<16xi32>
      tpu.vector_store_idx %arg5[%add3A_65], %get3A_31 : memref<65808xf32, #tpu.memory_space<vmem>>[vector<16xi32>], vector<16xf32>,
      %add3A_66 = arith.constant 41130 : i32
      %add3A_67 = vector.broadcast %add3A_66 : i32 to vector<16xi32>
      %add3A_68 = arith.addi %add3A_35, %add3A_67 : vector<16xi32>
      tpu.vector_store_idx %arg5[%add3A_68], %get3A_31 : memref<65808xf32, #tpu.memory_space<vmem>>[vector<16xi32>], vector<16xf32>,
      %add3A_69 = arith.constant 45243 : i32
      %add3A_70 = vector.broadcast %add3A_69 : i32 to vector<16xi32>
      %add3A_71 = arith.addi %add3A_35, %add3A_70 : vector<16xi32>
      tpu.vector_store_idx %arg5[%add3A_71], %get3A_31 : memref<65808xf32, #tpu.memory_space<vmem>>[vector<16xi32>], vector<16xf32>,
      %add3A_72 = arith.constant 49356 : i32
      %add3A_73 = vector.broadcast %add3A_72 : i32 to vector<16xi32>
      %add3A_74 = arith.addi %add3A_35, %add3A_73 : vector<16xi32>
      tpu.vector_store_idx %arg5[%add3A_74], %get3A_31 : memref<65808xf32, #tpu.memory_space<vmem>>[vector<16xi32>], vector<16xf32>,
      %add3A_75 = arith.constant 53469 : i32
      %add3A_76 = vector.broadcast %add3A_75 : i32 to vector<16xi32>
      %add3A_77 = arith.addi %add3A_35, %add3A_76 : vector<16xi32>
      tpu.vector_store_idx %arg5[%add3A_77], %get3A_31 : memref<65808xf32, #tpu.memory_space<vmem>>[vector<16xi32>], vector<16xf32>,
      %add3A_78 = arith.constant 57582 : i32
      %add3A_79 = vector.broadcast %add3A_78 : i32 to vector<16xi32>
      %add3A_80 = arith.addi %add3A_35, %add3A_79 : vector<16xi32>
      tpu.vector_store_idx %arg5[%add3A_80], %get3A_31 : memref<65808xf32, #tpu.memory_space<vmem>>[vector<16xi32>], vector<16xf32>,
      %add3A_81 = arith.constant 61695 : i32
      %add3A_82 = vector.broadcast %add3A_81 : i32 to vector<16xi32>
      %add3A_83 = arith.addi %add3A_35, %add3A_82 : vector<16xi32>
      tpu.vector_store_idx %arg5[%add3A_83], %get3A_31 : memref<65808xf32, #tpu.memory_space<vmem>>[vector<16xi32>], vector<16xf32>,
    }
    %scan3A_10 = arith.constant 257 : i32
    %add3A_11 = arith.constant 0 : i32
    %add3A_12 = arith.addi %mul3A_2, %add3A_11 : i32
    %mul3A_13 = arith.constant 4096 : i32
    %mul3A_14 = arith.muli %add3A_12, %mul3A_13 : i32
    %dma_start3A = tpu.memref_slice %arg2[%mul3A_14] : memref<16777216xi32, #tpu.memory_space<hbm>> -> memref<4096xi32, #tpu.memory_space<hbm>>
    %dma_start3A_15 = tpu.memref_slice %arg2[%mul3A_14] : memref<16777216xi32, #tpu.memory_space<hbm>> -> memref<4096xi32, #tpu.memory_space<hbm>>
    tpu.enqueue_dma source(%dma_start3A_15 : memref<4096xi32, #tpu.memory_space<hbm>>) target(%arg6 : memref<4096xi32, #tpu.memory_space<vmem>>) target_semaphore(%arg10 : memref<!tpu.dma_semaphore, #tpu.memory_space<semaphore_mem>>)
    %scan3A_16 = arith.constant 0 : i32
    %scan3A_17 = arith.constant 64 : i32
    %scan3A_18 = arith.addi %scan3A_16, %scan3A_17 : i32
    %scan3A_19 = arith.constant 1 : i32
    scf.for %scan3A_28 = %scan3A_16 to %scan3A_18 step %scan3A_19  : i32 {
      %mul3A_29 = arith.constant 2 : i32
      %mul3A_30 = arith.muli %scan3A_28, %mul3A_29 : i32
      %add3A_31 = arith.constant 0 : i32
      %add3A_32 = arith.addi %add3A_31, %mul3A_30 : i32
      %dma_wait3A_33 = arith.constant 0 : i32
      %dma_wait3A_34 = tpu.memref_slice %arg2[%dma_wait3A_33] : memref<16777216xi32, #tpu.memory_space<hbm>> -> memref<4096xi32, #tpu.memory_space<hbm>>
      %dma_wait3A_35 = arith.constant 0 : i32
      %dma_wait3A_36 = tpu.memref_slice %arg2[%dma_wait3A_35] : memref<16777216xi32, #tpu.memory_space<hbm>> -> memref<4096xi32, #tpu.memory_space<hbm>>
      tpu.wait_dma2 semaphore(%arg10 : memref<!tpu.dma_semaphore, #tpu.memory_space<semaphore_mem>>) src(%dma_wait3A_36 : memref<4096xi32, #tpu.memory_space<hbm>>) dst(%arg6 : memref<4096xi32, #tpu.memory_space<vmem>>)
      %add3A_37 = arith.constant 1 : i32
      %add3A_38 = arith.addi %add3A_32, %add3A_37 : i32
      %add3A_39 = arith.addi %mul3A_2, %add3A_38 : i32
      %mul3A_40 = arith.constant 4096 : i32
      %mul3A_41 = arith.muli %add3A_39, %mul3A_40 : i32
      %dma_start3A_42 = tpu.memref_slice %arg2[%mul3A_41] : memref<16777216xi32, #tpu.memory_space<hbm>> -> memref<4096xi32, #tpu.memory_space<hbm>>
      %dma_start3A_43 = tpu.memref_slice %arg2[%mul3A_41] : memref<16777216xi32, #tpu.memory_space<hbm>> -> memref<4096xi32, #tpu.memory_space<hbm>>
      tpu.enqueue_dma source(%dma_start3A_43 : memref<4096xi32, #tpu.memory_space<hbm>>) target(%arg7 : memref<4096xi32, #tpu.memory_space<vmem>>) target_semaphore(%arg11 : memref<!tpu.dma_semaphore, #tpu.memory_space<semaphore_mem>>)
      %gt3A = arith.constant 0 : i32
      %gt3A_44 = arith.cmpi sgt, %add3A_32, %gt3A : i32
      %convert_element_type3A = arith.extui %gt3A_44 : i1 to i32
      %cond3A = arith.constant 0 : i32
      %cond3A_45 = arith.cmpi ne, %convert_element_type3A, %cond3A : i32
      scf.if %cond3A_45 {
        %dma_wait3A_120 = arith.constant 0 : i32
        %dma_wait3A_121 = tpu.memref_slice %arg4[%dma_wait3A_120] : memref<134217728xf32, #tpu.memory_space<hbm>> -> memref<16384xf32, #tpu.memory_space<hbm>>
        %dma_wait3A_122 = arith.constant 0 : i32
        %dma_wait3A_123 = tpu.memref_slice %arg4[%dma_wait3A_122] : memref<134217728xf32, #tpu.memory_space<hbm>> -> memref<16384xf32, #tpu.memory_space<hbm>>
        tpu.wait_dma2 semaphore(%arg12 : memref<!tpu.dma_semaphore, #tpu.memory_space<semaphore_mem>>) src(%arg8 : memref<16384xf32, #tpu.memory_space<vmem>>) dst(%dma_wait3A_123 : memref<16384xf32, #tpu.memory_space<hbm>>)
      } else {
      }
      %parallel_loop3A = arith.constant 0 : i32
      %parallel_loop3A_46 = arith.constant 128 : i32
      %parallel_loop3A_47 = arith.constant 1 : i32
      scf.for %parallel_loop3A_120 = %parallel_loop3A to %parallel_loop3A_46 step %parallel_loop3A_47  : i32 {
        %parallel_loop3A_121 = arith.constant 5 : i32
        %parallel_loop3A_122 = arith.shrui %parallel_loop3A_120, %parallel_loop3A_121 : i32
        %parallel_loop3A_123 = arith.constant 3 : i32
        %parallel_loop3A_124 = arith.shrui %parallel_loop3A_120, %parallel_loop3A_123 : i32
        %parallel_loop3A_125 = arith.constant 3 : i32
        %parallel_loop3A_126 = arith.andi %parallel_loop3A_124, %parallel_loop3A_125 : i32
        %parallel_loop3A_127 = arith.constant 7 : i32
        %parallel_loop3A_128 = arith.andi %parallel_loop3A_120, %parallel_loop3A_127 : i32
        %parallel_loop3A_129 = arith.constant 4 : i32
        %parallel_loop3A_130 = arith.shli %parallel_loop3A_128, %parallel_loop3A_129 : i32
        %parallel_loop3A_131 = arith.constant 8 : i32
        %parallel_loop3A_132 = arith.muli %parallel_loop3A_122, %parallel_loop3A_131 : i32
        %parallel_loop3A_133 = arith.constant 0 : i32
        %parallel_loop3A_134 = arith.addi %parallel_loop3A_126, %parallel_loop3A_133 : i32
        %parallel_loop3A_135 = arith.addi %parallel_loop3A_132, %parallel_loop3A_134 : i32
        %parallel_loop3A_136 = arith.constant 7 : i32
        %parallel_loop3A_137 = arith.shli %parallel_loop3A_135, %parallel_loop3A_136 : i32
        %parallel_loop3A_138 = arith.addi %parallel_loop3A_137, %parallel_loop3A_130 : i32
        %parallel_loop3A_139 = arith.constant 4 : i32
        %parallel_loop3A_140 = arith.muli %parallel_loop3A_126, %parallel_loop3A_139 : i32
        %parallel_loop3A_141 = arith.addi %parallel_loop3A_140, %parallel_loop3A_122 : i32
        %parallel_loop3A_142 = arith.constant 10 : i32
        %parallel_loop3A_143 = arith.shli %parallel_loop3A_141, %parallel_loop3A_142 : i32
        %parallel_loop3A_144 = arith.addi %parallel_loop3A_143, %parallel_loop3A_130 : i32
        %parallel_loop3A_145 = arith.index_cast %parallel_loop3A_138 : i32 to index
        %parallel_loop3A_146 = tpu.vector_load %arg6[%parallel_loop3A_145] {strides = array<i32>} : memref<4096xi32, #tpu.memory_space<vmem>>, vector<16xi32>,
        %parallel_loop3A_147 = arith.constant -1 : i32
        %parallel_loop3A_148 = vector.broadcast %parallel_loop3A_147 : i32 to vector<16xi32>
        %parallel_loop3A_149 = arith.maxsi %parallel_loop3A_146, %parallel_loop3A_148 : vector<16xi32>
        %parallel_loop3A_150 = arith.constant 512 : i32
        %parallel_loop3A_151 = vector.broadcast %parallel_loop3A_150 : i32 to vector<16xi32>
        %parallel_loop3A_152 = arith.minsi %parallel_loop3A_149, %parallel_loop3A_151 : vector<16xi32>
        %parallel_loop3A_153 = arith.constant 1 : i32
        %parallel_loop3A_154 = vector.broadcast %parallel_loop3A_153 : i32 to vector<16xi32>
        %parallel_loop3A_155 = arith.addi %parallel_loop3A_152, %parallel_loop3A_154 : vector<16xi32>
        %parallel_loop3A_156 = arith.constant 3 : i32
        %parallel_loop3A_157 = vector.broadcast %parallel_loop3A_156 : i32 to vector<16xi32>
        %parallel_loop3A_158 = arith.shli %parallel_loop3A_155, %parallel_loop3A_157 : vector<16xi32>
        %parallel_loop3A_159 = arith.addi %mul3A_5, %parallel_loop3A_158 : vector<16xi32>
        %parallel_loop3A_160 = arith.constant 0 : i32
        %parallel_loop3A_161 = vector.broadcast %parallel_loop3A_160 : i32 to vector<16xi32>
        %parallel_loop3A_162 = arith.addi %parallel_loop3A_159, %parallel_loop3A_161 : vector<16xi32>
        %parallel_loop3A_163 = tpu.vector_load_idx %arg5[%parallel_loop3A_162] : memref<65808xf32, #tpu.memory_space<vmem>>[vector<16xi32>], vector<16xf32>,
        %parallel_loop3A_164 = arith.constant 0 : i32
        %parallel_loop3A_165 = arith.addi %parallel_loop3A_144, %parallel_loop3A_164 : i32
        %parallel_loop3A_166 = arith.index_cast %parallel_loop3A_165 : i32 to index
        %parallel_loop3A_167 = tpu.vector_load %arg8[%parallel_loop3A_166] {strides = array<i32>} : memref<16384xf32, #tpu.memory_space<vmem>>, vector<16xf32>,
        tpu.vector_store %arg8[%parallel_loop3A_166], %parallel_loop3A_163 {strides = array<i32>} : memref<16384xf32, #tpu.memory_space<vmem>>, vector<16xf32>,
        %parallel_loop3A_168 = arith.constant 1 : i32
        %parallel_loop3A_169 = vector.broadcast %parallel_loop3A_168 : i32 to vector<16xi32>
        %parallel_loop3A_170 = arith.addi %parallel_loop3A_159, %parallel_loop3A_169 : vector<16xi32>
        %parallel_loop3A_171 = tpu.vector_load_idx %arg5[%parallel_loop3A_170] : memref<65808xf32, #tpu.memory_space<vmem>>[vector<16xi32>], vector<16xf32>,
        %parallel_loop3A_172 = arith.constant 128 : i32
        %parallel_loop3A_173 = arith.addi %parallel_loop3A_144, %parallel_loop3A_172 : i32
        %parallel_loop3A_174 = arith.index_cast %parallel_loop3A_173 : i32 to index
        %parallel_loop3A_175 = tpu.vector_load %arg8[%parallel_loop3A_174] {strides = array<i32>} : memref<16384xf32, #tpu.memory_space<vmem>>, vector<16xf32>,
        tpu.vector_store %arg8[%parallel_loop3A_174], %parallel_loop3A_171 {strides = array<i32>} : memref<16384xf32, #tpu.memory_space<vmem>>, vector<16xf32>,
        %parallel_loop3A_176 = arith.constant 2 : i32
        %parallel_loop3A_177 = vector.broadcast %parallel_loop3A_176 : i32 to vector<16xi32>
        %parallel_loop3A_178 = arith.addi %parallel_loop3A_159, %parallel_loop3A_177 : vector<16xi32>
        %parallel_loop3A_179 = tpu.vector_load_idx %arg5[%parallel_loop3A_178] : memref<65808xf32, #tpu.memory_space<vmem>>[vector<16xi32>], vector<16xf32>,
        %parallel_loop3A_180 = arith.constant 256 : i32
        %parallel_loop3A_181 = arith.addi %parallel_loop3A_144, %parallel_loop3A_180 : i32
        %parallel_loop3A_182 = arith.index_cast %parallel_loop3A_181 : i32 to index
        %parallel_loop3A_183 = tpu.vector_load %arg8[%parallel_loop3A_182] {strides = array<i32>} : memref<16384xf32, #tpu.memory_space<vmem>>, vector<16xf32>,
        tpu.vector_store %arg8[%parallel_loop3A_182], %parallel_loop3A_179 {strides = array<i32>} : memref<16384xf32, #tpu.memory_space<vmem>>, vector<16xf32>,
        %parallel_loop3A_184 = arith.constant 3 : i32
        %parallel_loop3A_185 = vector.broadcast %parallel_loop3A_184 : i32 to vector<16xi32>
        %parallel_loop3A_186 = arith.addi %parallel_loop3A_159, %parallel_loop3A_185 : vector<16xi32>
        %parallel_loop3A_187 = tpu.vector_load_idx %arg5[%parallel_loop3A_186] : memref<65808xf32, #tpu.memory_space<vmem>>[vector<16xi32>], vector<16xf32>,
        %parallel_loop3A_188 = arith.constant 384 : i32
        %parallel_loop3A_189 = arith.addi %parallel_loop3A_144, %parallel_loop3A_188 : i32
        %parallel_loop3A_190 = arith.index_cast %parallel_loop3A_189 : i32 to index
        %parallel_loop3A_191 = tpu.vector_load %arg8[%parallel_loop3A_190] {strides = array<i32>} : memref<16384xf32, #tpu.memory_space<vmem>>, vector<16xf32>,
        tpu.vector_store %arg8[%parallel_loop3A_190], %parallel_loop3A_187 {strides = array<i32>} : memref<16384xf32, #tpu.memory_space<vmem>>, vector<16xf32>,
        %parallel_loop3A_192 = arith.constant 4 : i32
        %parallel_loop3A_193 = vector.broadcast %parallel_loop3A_192 : i32 to vector<16xi32>
        %parallel_loop3A_194 = arith.addi %parallel_loop3A_159, %parallel_loop3A_193 : vector<16xi32>
        %parallel_loop3A_195 = tpu.vector_load_idx %arg5[%parallel_loop3A_194] : memref<65808xf32, #tpu.memory_space<vmem>>[vector<16xi32>], vector<16xf32>,
        %parallel_loop3A_196 = arith.constant 512 : i32
        %parallel_loop3A_197 = arith.addi %parallel_loop3A_144, %parallel_loop3A_196 : i32
        %parallel_loop3A_198 = arith.index_cast %parallel_loop3A_197 : i32 to index
        %parallel_loop3A_199 = tpu.vector_load %arg8[%parallel_loop3A_198] {strides = array<i32>} : memref<16384xf32, #tpu.memory_space<vmem>>, vector<16xf32>,
        tpu.vector_store %arg8[%parallel_loop3A_198], %parallel_loop3A_195 {strides = array<i32>} : memref<16384xf32, #tpu.memory_space<vmem>>, vector<16xf32>,
        %parallel_loop3A_200 = arith.constant 5 : i32
        %parallel_loop3A_201 = vector.broadcast %parallel_loop3A_200 : i32 to vector<16xi32>
        %parallel_loop3A_202 = arith.addi %parallel_loop3A_159, %parallel_loop3A_201 : vector<16xi32>
        %parallel_loop3A_203 = tpu.vector_load_idx %arg5[%parallel_loop3A_202] : memref<65808xf32, #tpu.memory_space<vmem>>[vector<16xi32>], vector<16xf32>,
        %parallel_loop3A_204 = arith.constant 640 : i32
        %parallel_loop3A_205 = arith.addi %parallel_loop3A_144, %parallel_loop3A_204 : i32
        %parallel_loop3A_206 = arith.index_cast %parallel_loop3A_205 : i32 to index
        %parallel_loop3A_207 = tpu.vector_load %arg8[%parallel_loop3A_206] {strides = array<i32>} : memref<16384xf32, #tpu.memory_space<vmem>>, vector<16xf32>,
        tpu.vector_store %arg8[%parallel_loop3A_206], %parallel_loop3A_203 {strides = array<i32>} : memref<16384xf32, #tpu.memory_space<vmem>>, vector<16xf32>,
        %parallel_loop3A_208 = arith.constant 6 : i32
        %parallel_loop3A_209 = vector.broadcast %parallel_loop3A_208 : i32 to vector<16xi32>
        %parallel_loop3A_210 = arith.addi %parallel_loop3A_159, %parallel_loop3A_209 : vector<16xi32>
        %parallel_loop3A_211 = tpu.vector_load_idx %arg5[%parallel_loop3A_210] : memref<65808xf32, #tpu.memory_space<vmem>>[vector<16xi32>], vector<16xf32>,
        %parallel_loop3A_212 = arith.constant 768 : i32
        %parallel_loop3A_213 = arith.addi %parallel_loop3A_144, %parallel_loop3A_212 : i32
        %parallel_loop3A_214 = arith.index_cast %parallel_loop3A_213 : i32 to index
        %parallel_loop3A_215 = tpu.vector_load %arg8[%parallel_loop3A_214] {strides = array<i32>} : memref<16384xf32, #tpu.memory_space<vmem>>, vector<16xf32>,
        tpu.vector_store %arg8[%parallel_loop3A_214], %parallel_loop3A_211 {strides = array<i32>} : memref<16384xf32, #tpu.memory_space<vmem>>, vector<16xf32>,
        %parallel_loop3A_216 = arith.constant 7 : i32
        %parallel_loop3A_217 = vector.broadcast %parallel_loop3A_216 : i32 to vector<16xi32>
        %parallel_loop3A_218 = arith.addi %parallel_loop3A_159, %parallel_loop3A_217 : vector<16xi32>
        %parallel_loop3A_219 = tpu.vector_load_idx %arg5[%parallel_loop3A_218] : memref<65808xf32, #tpu.memory_space<vmem>>[vector<16xi32>], vector<16xf32>,
        %parallel_loop3A_220 = arith.constant 896 : i32
        %parallel_loop3A_221 = arith.addi %parallel_loop3A_144, %parallel_loop3A_220 : i32
        %parallel_loop3A_222 = arith.index_cast %parallel_loop3A_221 : i32 to index
        %parallel_loop3A_223 = tpu.vector_load %arg8[%parallel_loop3A_222] {strides = array<i32>} : memref<16384xf32, #tpu.memory_space<vmem>>, vector<16xf32>,
        tpu.vector_store %arg8[%parallel_loop3A_222], %parallel_loop3A_219 {strides = array<i32>} : memref<16384xf32, #tpu.memory_space<vmem>>, vector<16xf32>,
      } {sc.loop_unroll_factor = 4 : i64, sc.parallel_access}
      %add3A_48 = arith.addi %mul3A_2, %add3A_32 : i32
      %mul3A_49 = arith.constant 4096 : i32
      %mul3A_50 = arith.muli %add3A_48, %mul3A_49 : i32
      %mul3A_51 = arith.constant 8 : i32
      %mul3A_52 = arith.muli %mul3A_50, %mul3A_51 : i32
      %add3A_53 = arith.constant 0 : i32
      %add3A_54 = arith.addi %mul3A_52, %add3A_53 : i32
      %dma_start3A_55 = tpu.memref_slice %arg4[%add3A_54] : memref<134217728xf32, #tpu.memory_space<hbm>> -> memref<16384xf32, #tpu.memory_space<hbm>>
      %dma_start3A_56 = tpu.memref_slice %arg4[%add3A_54] : memref<134217728xf32, #tpu.memory_space<hbm>> -> memref<16384xf32, #tpu.memory_space<hbm>>
      tpu.enqueue_dma source(%arg8 : memref<16384xf32, #tpu.memory_space<vmem>>) target(%dma_start3A_56 : memref<16384xf32, #tpu.memory_space<hbm>>) target_semaphore(%arg12 : memref<!tpu.dma_semaphore, #tpu.memory_space<semaphore_mem>>)
      %gt3A_57 = arith.constant 0 : i32
      %gt3A_58 = arith.cmpi sgt, %add3A_32, %gt3A_57 : i32
      %convert_element_type3A_59 = arith.extui %gt3A_58 : i1 to i32
      %cond3A_60 = arith.constant 0 : i32
      %cond3A_61 = arith.cmpi ne, %convert_element_type3A_59, %cond3A_60 : i32
      scf.if %cond3A_61 {
        %dma_wait3A_120 = arith.constant 0 : i32
        %dma_wait3A_121 = tpu.memref_slice %arg4[%dma_wait3A_120] : memref<134217728xf32, #tpu.memory_space<hbm>> -> memref<16384xf32, #tpu.memory_space<hbm>>
        %dma_wait3A_122 = arith.constant 0 : i32
        %dma_wait3A_123 = tpu.memref_slice %arg4[%dma_wait3A_122] : memref<134217728xf32, #tpu.memory_space<hbm>> -> memref<16384xf32, #tpu.memory_space<hbm>>
        tpu.wait_dma2 semaphore(%arg13 : memref<!tpu.dma_semaphore, #tpu.memory_space<semaphore_mem>>) src(%arg9 : memref<16384xf32, #tpu.memory_space<vmem>>) dst(%dma_wait3A_123 : memref<16384xf32, #tpu.memory_space<hbm>>)
      } else {
      }
      %parallel_loop3A_62 = arith.constant 0 : i32
      %parallel_loop3A_63 = arith.constant 128 : i32
      %parallel_loop3A_64 = arith.constant 1 : i32
      scf.for %parallel_loop3A_120 = %parallel_loop3A_62 to %parallel_loop3A_63 step %parallel_loop3A_64  : i32 {
        %parallel_loop3A_121 = arith.constant 5 : i32
        %parallel_loop3A_122 = arith.shrui %parallel_loop3A_120, %parallel_loop3A_121 : i32
        %parallel_loop3A_123 = arith.constant 3 : i32
        %parallel_loop3A_124 = arith.shrui %parallel_loop3A_120, %parallel_loop3A_123 : i32
        %parallel_loop3A_125 = arith.constant 3 : i32
        %parallel_loop3A_126 = arith.andi %parallel_loop3A_124, %parallel_loop3A_125 : i32
        %parallel_loop3A_127 = arith.constant 7 : i32
        %parallel_loop3A_128 = arith.andi %parallel_loop3A_120, %parallel_loop3A_127 : i32
        %parallel_loop3A_129 = arith.constant 4 : i32
        %parallel_loop3A_130 = arith.shli %parallel_loop3A_128, %parallel_loop3A_129 : i32
        %parallel_loop3A_131 = arith.constant 8 : i32
        %parallel_loop3A_132 = arith.muli %parallel_loop3A_122, %parallel_loop3A_131 : i32
        %parallel_loop3A_133 = arith.constant 4 : i32
        %parallel_loop3A_134 = arith.addi %parallel_loop3A_126, %parallel_loop3A_133 : i32
        %parallel_loop3A_135 = arith.addi %parallel_loop3A_132, %parallel_loop3A_134 : i32
        %parallel_loop3A_136 = arith.constant 7 : i32
        %parallel_loop3A_137 = arith.shli %parallel_loop3A_135, %parallel_loop3A_136 : i32
        %parallel_loop3A_138 = arith.addi %parallel_loop3A_137, %parallel_loop3A_130 : i32
        %parallel_loop3A_139 = arith.constant 4 : i32
        %parallel_loop3A_140 = arith.muli %parallel_loop3A_126, %parallel_loop3A_139 : i32
        %parallel_loop3A_141 = arith.addi %parallel_loop3A_140, %parallel_loop3A_122 : i32
        %parallel_loop3A_142 = arith.constant 10 : i32
        %parallel_loop3A_143 = arith.shli %parallel_loop3A_141, %parallel_loop3A_142 : i32
        %parallel_loop3A_144 = arith.addi %parallel_loop3A_143, %parallel_loop3A_130 : i32
        %parallel_loop3A_145 = arith.index_cast %parallel_loop3A_138 : i32 to index
        %parallel_loop3A_146 = tpu.vector_load %arg6[%parallel_loop3A_145] {strides = array<i32>} : memref<4096xi32, #tpu.memory_space<vmem>>, vector<16xi32>,
        %parallel_loop3A_147 = arith.constant -1 : i32
        %parallel_loop3A_148 = vector.broadcast %parallel_loop3A_147 : i32 to vector<16xi32>
        %parallel_loop3A_149 = arith.maxsi %parallel_loop3A_146, %parallel_loop3A_148 : vector<16xi32>
        %parallel_loop3A_150 = arith.constant 512 : i32
        %parallel_loop3A_151 = vector.broadcast %parallel_loop3A_150 : i32 to vector<16xi32>
        %parallel_loop3A_152 = arith.minsi %parallel_loop3A_149, %parallel_loop3A_151 : vector<16xi32>
        %parallel_loop3A_153 = arith.constant 1 : i32
        %parallel_loop3A_154 = vector.broadcast %parallel_loop3A_153 : i32 to vector<16xi32>
        %parallel_loop3A_155 = arith.addi %parallel_loop3A_152, %parallel_loop3A_154 : vector<16xi32>
        %parallel_loop3A_156 = arith.constant 3 : i32
        %parallel_loop3A_157 = vector.broadcast %parallel_loop3A_156 : i32 to vector<16xi32>
        %parallel_loop3A_158 = arith.shli %parallel_loop3A_155, %parallel_loop3A_157 : vector<16xi32>
        %parallel_loop3A_159 = arith.addi %mul3A_5, %parallel_loop3A_158 : vector<16xi32>
        %parallel_loop3A_160 = arith.constant 0 : i32
        %parallel_loop3A_161 = vector.broadcast %parallel_loop3A_160 : i32 to vector<16xi32>
        %parallel_loop3A_162 = arith.addi %parallel_loop3A_159, %parallel_loop3A_161 : vector<16xi32>
        %parallel_loop3A_163 = tpu.vector_load_idx %arg5[%parallel_loop3A_162] : memref<65808xf32, #tpu.memory_space<vmem>>[vector<16xi32>], vector<16xf32>,
        %parallel_loop3A_164 = arith.constant 0 : i32
        %parallel_loop3A_165 = arith.addi %parallel_loop3A_144, %parallel_loop3A_164 : i32
        %parallel_loop3A_166 = arith.index_cast %parallel_loop3A_165 : i32 to index
        %parallel_loop3A_167 = tpu.vector_load %arg9[%parallel_loop3A_166] {strides = array<i32>} : memref<16384xf32, #tpu.memory_space<vmem>>, vector<16xf32>,
        tpu.vector_store %arg9[%parallel_loop3A_166], %parallel_loop3A_163 {strides = array<i32>} : memref<16384xf32, #tpu.memory_space<vmem>>, vector<16xf32>,
        %parallel_loop3A_168 = arith.constant 1 : i32
        %parallel_loop3A_169 = vector.broadcast %parallel_loop3A_168 : i32 to vector<16xi32>
        %parallel_loop3A_170 = arith.addi %parallel_loop3A_159, %parallel_loop3A_169 : vector<16xi32>
        %parallel_loop3A_171 = tpu.vector_load_idx %arg5[%parallel_loop3A_170] : memref<65808xf32, #tpu.memory_space<vmem>>[vector<16xi32>], vector<16xf32>,
        %parallel_loop3A_172 = arith.constant 128 : i32
        %parallel_loop3A_173 = arith.addi %parallel_loop3A_144, %parallel_loop3A_172 : i32
        %parallel_loop3A_174 = arith.index_cast %parallel_loop3A_173 : i32 to index
        %parallel_loop3A_175 = tpu.vector_load %arg9[%parallel_loop3A_174] {strides = array<i32>} : memref<16384xf32, #tpu.memory_space<vmem>>, vector<16xf32>,
        tpu.vector_store %arg9[%parallel_loop3A_174], %parallel_loop3A_171 {strides = array<i32>} : memref<16384xf32, #tpu.memory_space<vmem>>, vector<16xf32>,
        %parallel_loop3A_176 = arith.constant 2 : i32
        %parallel_loop3A_177 = vector.broadcast %parallel_loop3A_176 : i32 to vector<16xi32>
        %parallel_loop3A_178 = arith.addi %parallel_loop3A_159, %parallel_loop3A_177 : vector<16xi32>
        %parallel_loop3A_179 = tpu.vector_load_idx %arg5[%parallel_loop3A_178] : memref<65808xf32, #tpu.memory_space<vmem>>[vector<16xi32>], vector<16xf32>,
        %parallel_loop3A_180 = arith.constant 256 : i32
        %parallel_loop3A_181 = arith.addi %parallel_loop3A_144, %parallel_loop3A_180 : i32
        %parallel_loop3A_182 = arith.index_cast %parallel_loop3A_181 : i32 to index
        %parallel_loop3A_183 = tpu.vector_load %arg9[%parallel_loop3A_182] {strides = array<i32>} : memref<16384xf32, #tpu.memory_space<vmem>>, vector<16xf32>,
        tpu.vector_store %arg9[%parallel_loop3A_182], %parallel_loop3A_179 {strides = array<i32>} : memref<16384xf32, #tpu.memory_space<vmem>>, vector<16xf32>,
        %parallel_loop3A_184 = arith.constant 3 : i32
        %parallel_loop3A_185 = vector.broadcast %parallel_loop3A_184 : i32 to vector<16xi32>
        %parallel_loop3A_186 = arith.addi %parallel_loop3A_159, %parallel_loop3A_185 : vector<16xi32>
        %parallel_loop3A_187 = tpu.vector_load_idx %arg5[%parallel_loop3A_186] : memref<65808xf32, #tpu.memory_space<vmem>>[vector<16xi32>], vector<16xf32>,
        %parallel_loop3A_188 = arith.constant 384 : i32
        %parallel_loop3A_189 = arith.addi %parallel_loop3A_144, %parallel_loop3A_188 : i32
        %parallel_loop3A_190 = arith.index_cast %parallel_loop3A_189 : i32 to index
        %parallel_loop3A_191 = tpu.vector_load %arg9[%parallel_loop3A_190] {strides = array<i32>} : memref<16384xf32, #tpu.memory_space<vmem>>, vector<16xf32>,
        tpu.vector_store %arg9[%parallel_loop3A_190], %parallel_loop3A_187 {strides = array<i32>} : memref<16384xf32, #tpu.memory_space<vmem>>, vector<16xf32>,
        %parallel_loop3A_192 = arith.constant 4 : i32
        %parallel_loop3A_193 = vector.broadcast %parallel_loop3A_192 : i32 to vector<16xi32>
        %parallel_loop3A_194 = arith.addi %parallel_loop3A_159, %parallel_loop3A_193 : vector<16xi32>
        %parallel_loop3A_195 = tpu.vector_load_idx %arg5[%parallel_loop3A_194] : memref<65808xf32, #tpu.memory_space<vmem>>[vector<16xi32>], vector<16xf32>,
        %parallel_loop3A_196 = arith.constant 512 : i32
        %parallel_loop3A_197 = arith.addi %parallel_loop3A_144, %parallel_loop3A_196 : i32
        %parallel_loop3A_198 = arith.index_cast %parallel_loop3A_197 : i32 to index
        %parallel_loop3A_199 = tpu.vector_load %arg9[%parallel_loop3A_198] {strides = array<i32>} : memref<16384xf32, #tpu.memory_space<vmem>>, vector<16xf32>,
        tpu.vector_store %arg9[%parallel_loop3A_198], %parallel_loop3A_195 {strides = array<i32>} : memref<16384xf32, #tpu.memory_space<vmem>>, vector<16xf32>,
        %parallel_loop3A_200 = arith.constant 5 : i32
        %parallel_loop3A_201 = vector.broadcast %parallel_loop3A_200 : i32 to vector<16xi32>
        %parallel_loop3A_202 = arith.addi %parallel_loop3A_159, %parallel_loop3A_201 : vector<16xi32>
        %parallel_loop3A_203 = tpu.vector_load_idx %arg5[%parallel_loop3A_202] : memref<65808xf32, #tpu.memory_space<vmem>>[vector<16xi32>], vector<16xf32>,
        %parallel_loop3A_204 = arith.constant 640 : i32
        %parallel_loop3A_205 = arith.addi %parallel_loop3A_144, %parallel_loop3A_204 : i32
        %parallel_loop3A_206 = arith.index_cast %parallel_loop3A_205 : i32 to index
        %parallel_loop3A_207 = tpu.vector_load %arg9[%parallel_loop3A_206] {strides = array<i32>} : memref<16384xf32, #tpu.memory_space<vmem>>, vector<16xf32>,
        tpu.vector_store %arg9[%parallel_loop3A_206], %parallel_loop3A_203 {strides = array<i32>} : memref<16384xf32, #tpu.memory_space<vmem>>, vector<16xf32>,
        %parallel_loop3A_208 = arith.constant 6 : i32
        %parallel_loop3A_209 = vector.broadcast %parallel_loop3A_208 : i32 to vector<16xi32>
        %parallel_loop3A_210 = arith.addi %parallel_loop3A_159, %parallel_loop3A_209 : vector<16xi32>
        %parallel_loop3A_211 = tpu.vector_load_idx %arg5[%parallel_loop3A_210] : memref<65808xf32, #tpu.memory_space<vmem>>[vector<16xi32>], vector<16xf32>,
        %parallel_loop3A_212 = arith.constant 768 : i32
        %parallel_loop3A_213 = arith.addi %parallel_loop3A_144, %parallel_loop3A_212 : i32
        %parallel_loop3A_214 = arith.index_cast %parallel_loop3A_213 : i32 to index
        %parallel_loop3A_215 = tpu.vector_load %arg9[%parallel_loop3A_214] {strides = array<i32>} : memref<16384xf32, #tpu.memory_space<vmem>>, vector<16xf32>,
        tpu.vector_store %arg9[%parallel_loop3A_214], %parallel_loop3A_211 {strides = array<i32>} : memref<16384xf32, #tpu.memory_space<vmem>>, vector<16xf32>,
        %parallel_loop3A_216 = arith.constant 7 : i32
        %parallel_loop3A_217 = vector.broadcast %parallel_loop3A_216 : i32 to vector<16xi32>
        %parallel_loop3A_218 = arith.addi %parallel_loop3A_159, %parallel_loop3A_217 : vector<16xi32>
        %parallel_loop3A_219 = tpu.vector_load_idx %arg5[%parallel_loop3A_218] : memref<65808xf32, #tpu.memory_space<vmem>>[vector<16xi32>], vector<16xf32>,
        %parallel_loop3A_220 = arith.constant 896 : i32
        %parallel_loop3A_221 = arith.addi %parallel_loop3A_144, %parallel_loop3A_220 : i32
        %parallel_loop3A_222 = arith.index_cast %parallel_loop3A_221 : i32 to index
        %parallel_loop3A_223 = tpu.vector_load %arg9[%parallel_loop3A_222] {strides = array<i32>} : memref<16384xf32, #tpu.memory_space<vmem>>, vector<16xf32>,
        tpu.vector_store %arg9[%parallel_loop3A_222], %parallel_loop3A_219 {strides = array<i32>} : memref<16384xf32, #tpu.memory_space<vmem>>, vector<16xf32>,
      } {sc.loop_unroll_factor = 4 : i64, sc.parallel_access}
      %add3A_65 = arith.addi %mul3A_2, %add3A_32 : i32
      %mul3A_66 = arith.constant 4096 : i32
      %mul3A_67 = arith.muli %add3A_65, %mul3A_66 : i32
      %mul3A_68 = arith.constant 8 : i32
      %mul3A_69 = arith.muli %mul3A_67, %mul3A_68 : i32
      %add3A_70 = arith.constant 16384 : i32
      %add3A_71 = arith.addi %mul3A_69, %add3A_70 : i32
      %dma_start3A_72 = tpu.memref_slice %arg4[%add3A_71] : memref<134217728xf32, #tpu.memory_space<hbm>> -> memref<16384xf32, #tpu.memory_space<hbm>>
      %dma_start3A_73 = tpu.memref_slice %arg4[%add3A_71] : memref<134217728xf32, #tpu.memory_space<hbm>> -> memref<16384xf32, #tpu.memory_space<hbm>>
      tpu.enqueue_dma source(%arg9 : memref<16384xf32, #tpu.memory_space<vmem>>) target(%dma_start3A_73 : memref<16384xf32, #tpu.memory_space<hbm>>) target_semaphore(%arg13 : memref<!tpu.dma_semaphore, #tpu.memory_space<semaphore_mem>>)
      %dma_wait3A_74 = arith.constant 0 : i32
      %dma_wait3A_75 = tpu.memref_slice %arg2[%dma_wait3A_74] : memref<16777216xi32, #tpu.memory_space<hbm>> -> memref<4096xi32, #tpu.memory_space<hbm>>
      %dma_wait3A_76 = arith.constant 0 : i32
      %dma_wait3A_77 = tpu.memref_slice %arg2[%dma_wait3A_76] : memref<16777216xi32, #tpu.memory_space<hbm>> -> memref<4096xi32, #tpu.memory_space<hbm>>
      tpu.wait_dma2 semaphore(%arg11 : memref<!tpu.dma_semaphore, #tpu.memory_space<semaphore_mem>>) src(%dma_wait3A_77 : memref<4096xi32, #tpu.memory_space<hbm>>) dst(%arg7 : memref<4096xi32, #tpu.memory_space<vmem>>)
      %add3A_78 = arith.constant 2 : i32
      %add3A_79 = arith.addi %add3A_32, %add3A_78 : i32
      %lt3A = arith.constant 128 : i32
      %lt3A_80 = arith.cmpi slt, %add3A_79, %lt3A : i32
      %convert_element_type3A_81 = arith.extui %lt3A_80 : i1 to i32
      %cond3A_82 = arith.constant 0 : i32
      %cond3A_83 = arith.cmpi ne, %convert_element_type3A_81, %cond3A_82 : i32
      scf.if %cond3A_83 {
        %add3A_120 = arith.constant 2 : i32
        %add3A_121 = arith.addi %add3A_32, %add3A_120 : i32
        %add3A_122 = arith.addi %mul3A_2, %add3A_121 : i32
        %mul3A_123 = arith.constant 4096 : i32
        %mul3A_124 = arith.muli %add3A_122, %mul3A_123 : i32
        %dma_start3A_125 = tpu.memref_slice %arg2[%mul3A_124] : memref<16777216xi32, #tpu.memory_space<hbm>> -> memref<4096xi32, #tpu.memory_space<hbm>>
        %dma_start3A_126 = tpu.memref_slice %arg2[%mul3A_124] : memref<16777216xi32, #tpu.memory_space<hbm>> -> memref<4096xi32, #tpu.memory_space<hbm>>
        tpu.enqueue_dma source(%dma_start3A_126 : memref<4096xi32, #tpu.memory_space<hbm>>) target(%arg6 : memref<4096xi32, #tpu.memory_space<vmem>>) target_semaphore(%arg10 : memref<!tpu.dma_semaphore, #tpu.memory_space<semaphore_mem>>)
      } else {
      }
      %dma_wait3A_84 = arith.constant 0 : i32
      %dma_wait3A_85 = tpu.memref_slice %arg4[%dma_wait3A_84] : memref<134217728xf32, #tpu.memory_space<hbm>> -> memref<16384xf32, #tpu.memory_space<hbm>>
      %dma_wait3A_86 = arith.constant 0 : i32
      %dma_wait3A_87 = tpu.memref_slice %arg4[%dma_wait3A_86] : memref<134217728xf32, #tpu.memory_space<hbm>> -> memref<16384xf32, #tpu.memory_space<hbm>>
      tpu.wait_dma2 semaphore(%arg12 : memref<!tpu.dma_semaphore, #tpu.memory_space<semaphore_mem>>) src(%arg8 : memref<16384xf32, #tpu.memory_space<vmem>>) dst(%dma_wait3A_87 : memref<16384xf32, #tpu.memory_space<hbm>>)
      %parallel_loop3A_88 = arith.constant 0 : i32
      %parallel_loop3A_89 = arith.constant 128 : i32
      %parallel_loop3A_90 = arith.constant 1 : i32
      scf.for %parallel_loop3A_120 = %parallel_loop3A_88 to %parallel_loop3A_89 step %parallel_loop3A_90  : i32 {
        %parallel_loop3A_121 = arith.constant 5 : i32
        %parallel_loop3A_122 = arith.shrui %parallel_loop3A_120, %parallel_loop3A_121 : i32
        %parallel_loop3A_123 = arith.constant 3 : i32
        %parallel_loop3A_124 = arith.shrui %parallel_loop3A_120, %parallel_loop3A_123 : i32
        %parallel_loop3A_125 = arith.constant 3 : i32
        %parallel_loop3A_126 = arith.andi %parallel_loop3A_124, %parallel_loop3A_125 : i32
        %parallel_loop3A_127 = arith.constant 7 : i32
        %parallel_loop3A_128 = arith.andi %parallel_loop3A_120, %parallel_loop3A_127 : i32
        %parallel_loop3A_129 = arith.constant 4 : i32
        %parallel_loop3A_130 = arith.shli %parallel_loop3A_128, %parallel_loop3A_129 : i32
        %parallel_loop3A_131 = arith.constant 8 : i32
        %parallel_loop3A_132 = arith.muli %parallel_loop3A_122, %parallel_loop3A_131 : i32
        %parallel_loop3A_133 = arith.constant 0 : i32
        %parallel_loop3A_134 = arith.addi %parallel_loop3A_126, %parallel_loop3A_133 : i32
        %parallel_loop3A_135 = arith.addi %parallel_loop3A_132, %parallel_loop3A_134 : i32
        %parallel_loop3A_136 = arith.constant 7 : i32
        %parallel_loop3A_137 = arith.shli %parallel_loop3A_135, %parallel_loop3A_136 : i32
        %parallel_loop3A_138 = arith.addi %parallel_loop3A_137, %parallel_loop3A_130 : i32
        %parallel_loop3A_139 = arith.constant 4 : i32
        %parallel_loop3A_140 = arith.muli %parallel_loop3A_126, %parallel_loop3A_139 : i32
        %parallel_loop3A_141 = arith.addi %parallel_loop3A_140, %parallel_loop3A_122 : i32
        %parallel_loop3A_142 = arith.constant 10 : i32
        %parallel_loop3A_143 = arith.shli %parallel_loop3A_141, %parallel_loop3A_142 : i32
        %parallel_loop3A_144 = arith.addi %parallel_loop3A_143, %parallel_loop3A_130 : i32
        %parallel_loop3A_145 = arith.index_cast %parallel_loop3A_138 : i32 to index
        %parallel_loop3A_146 = tpu.vector_load %arg7[%parallel_loop3A_145] {strides = array<i32>} : memref<4096xi32, #tpu.memory_space<vmem>>, vector<16xi32>,
        %parallel_loop3A_147 = arith.constant -1 : i32
        %parallel_loop3A_148 = vector.broadcast %parallel_loop3A_147 : i32 to vector<16xi32>
        %parallel_loop3A_149 = arith.maxsi %parallel_loop3A_146, %parallel_loop3A_148 : vector<16xi32>
        %parallel_loop3A_150 = arith.constant 512 : i32
        %parallel_loop3A_151 = vector.broadcast %parallel_loop3A_150 : i32 to vector<16xi32>
        %parallel_loop3A_152 = arith.minsi %parallel_loop3A_149, %parallel_loop3A_151 : vector<16xi32>
        %parallel_loop3A_153 = arith.constant 1 : i32
        %parallel_loop3A_154 = vector.broadcast %parallel_loop3A_153 : i32 to vector<16xi32>
        %parallel_loop3A_155 = arith.addi %parallel_loop3A_152, %parallel_loop3A_154 : vector<16xi32>
        %parallel_loop3A_156 = arith.constant 3 : i32
        %parallel_loop3A_157 = vector.broadcast %parallel_loop3A_156 : i32 to vector<16xi32>
        %parallel_loop3A_158 = arith.shli %parallel_loop3A_155, %parallel_loop3A_157 : vector<16xi32>
        %parallel_loop3A_159 = arith.addi %mul3A_5, %parallel_loop3A_158 : vector<16xi32>
        %parallel_loop3A_160 = arith.constant 0 : i32
        %parallel_loop3A_161 = vector.broadcast %parallel_loop3A_160 : i32 to vector<16xi32>
        %parallel_loop3A_162 = arith.addi %parallel_loop3A_159, %parallel_loop3A_161 : vector<16xi32>
        %parallel_loop3A_163 = tpu.vector_load_idx %arg5[%parallel_loop3A_162] : memref<65808xf32, #tpu.memory_space<vmem>>[vector<16xi32>], vector<16xf32>,
        %parallel_loop3A_164 = arith.constant 0 : i32
        %parallel_loop3A_165 = arith.addi %parallel_loop3A_144, %parallel_loop3A_164 : i32
        %parallel_loop3A_166 = arith.index_cast %parallel_loop3A_165 : i32 to index
        %parallel_loop3A_167 = tpu.vector_load %arg8[%parallel_loop3A_166] {strides = array<i32>} : memref<16384xf32, #tpu.memory_space<vmem>>, vector<16xf32>,
        tpu.vector_store %arg8[%parallel_loop3A_166], %parallel_loop3A_163 {strides = array<i32>} : memref<16384xf32, #tpu.memory_space<vmem>>, vector<16xf32>,
        %parallel_loop3A_168 = arith.constant 1 : i32
        %parallel_loop3A_169 = vector.broadcast %parallel_loop3A_168 : i32 to vector<16xi32>
        %parallel_loop3A_170 = arith.addi %parallel_loop3A_159, %parallel_loop3A_169 : vector<16xi32>
        %parallel_loop3A_171 = tpu.vector_load_idx %arg5[%parallel_loop3A_170] : memref<65808xf32, #tpu.memory_space<vmem>>[vector<16xi32>], vector<16xf32>,
        %parallel_loop3A_172 = arith.constant 128 : i32
        %parallel_loop3A_173 = arith.addi %parallel_loop3A_144, %parallel_loop3A_172 : i32
        %parallel_loop3A_174 = arith.index_cast %parallel_loop3A_173 : i32 to index
        %parallel_loop3A_175 = tpu.vector_load %arg8[%parallel_loop3A_174] {strides = array<i32>} : memref<16384xf32, #tpu.memory_space<vmem>>, vector<16xf32>,
        tpu.vector_store %arg8[%parallel_loop3A_174], %parallel_loop3A_171 {strides = array<i32>} : memref<16384xf32, #tpu.memory_space<vmem>>, vector<16xf32>,
        %parallel_loop3A_176 = arith.constant 2 : i32
        %parallel_loop3A_177 = vector.broadcast %parallel_loop3A_176 : i32 to vector<16xi32>
        %parallel_loop3A_178 = arith.addi %parallel_loop3A_159, %parallel_loop3A_177 : vector<16xi32>
        %parallel_loop3A_179 = tpu.vector_load_idx %arg5[%parallel_loop3A_178] : memref<65808xf32, #tpu.memory_space<vmem>>[vector<16xi32>], vector<16xf32>,
        %parallel_loop3A_180 = arith.constant 256 : i32
        %parallel_loop3A_181 = arith.addi %parallel_loop3A_144, %parallel_loop3A_180 : i32
        %parallel_loop3A_182 = arith.index_cast %parallel_loop3A_181 : i32 to index
        %parallel_loop3A_183 = tpu.vector_load %arg8[%parallel_loop3A_182] {strides = array<i32>} : memref<16384xf32, #tpu.memory_space<vmem>>, vector<16xf32>,
        tpu.vector_store %arg8[%parallel_loop3A_182], %parallel_loop3A_179 {strides = array<i32>} : memref<16384xf32, #tpu.memory_space<vmem>>, vector<16xf32>,
        %parallel_loop3A_184 = arith.constant 3 : i32
        %parallel_loop3A_185 = vector.broadcast %parallel_loop3A_184 : i32 to vector<16xi32>
        %parallel_loop3A_186 = arith.addi %parallel_loop3A_159, %parallel_loop3A_185 : vector<16xi32>
        %parallel_loop3A_187 = tpu.vector_load_idx %arg5[%parallel_loop3A_186] : memref<65808xf32, #tpu.memory_space<vmem>>[vector<16xi32>], vector<16xf32>,
        %parallel_loop3A_188 = arith.constant 384 : i32
        %parallel_loop3A_189 = arith.addi %parallel_loop3A_144, %parallel_loop3A_188 : i32
        %parallel_loop3A_190 = arith.index_cast %parallel_loop3A_189 : i32 to index
        %parallel_loop3A_191 = tpu.vector_load %arg8[%parallel_loop3A_190] {strides = array<i32>} : memref<16384xf32, #tpu.memory_space<vmem>>, vector<16xf32>,
        tpu.vector_store %arg8[%parallel_loop3A_190], %parallel_loop3A_187 {strides = array<i32>} : memref<16384xf32, #tpu.memory_space<vmem>>, vector<16xf32>,
        %parallel_loop3A_192 = arith.constant 4 : i32
        %parallel_loop3A_193 = vector.broadcast %parallel_loop3A_192 : i32 to vector<16xi32>
        %parallel_loop3A_194 = arith.addi %parallel_loop3A_159, %parallel_loop3A_193 : vector<16xi32>
        %parallel_loop3A_195 = tpu.vector_load_idx %arg5[%parallel_loop3A_194] : memref<65808xf32, #tpu.memory_space<vmem>>[vector<16xi32>], vector<16xf32>,
        %parallel_loop3A_196 = arith.constant 512 : i32
        %parallel_loop3A_197 = arith.addi %parallel_loop3A_144, %parallel_loop3A_196 : i32
        %parallel_loop3A_198 = arith.index_cast %parallel_loop3A_197 : i32 to index
        %parallel_loop3A_199 = tpu.vector_load %arg8[%parallel_loop3A_198] {strides = array<i32>} : memref<16384xf32, #tpu.memory_space<vmem>>, vector<16xf32>,
        tpu.vector_store %arg8[%parallel_loop3A_198], %parallel_loop3A_195 {strides = array<i32>} : memref<16384xf32, #tpu.memory_space<vmem>>, vector<16xf32>,
        %parallel_loop3A_200 = arith.constant 5 : i32
        %parallel_loop3A_201 = vector.broadcast %parallel_loop3A_200 : i32 to vector<16xi32>
        %parallel_loop3A_202 = arith.addi %parallel_loop3A_159, %parallel_loop3A_201 : vector<16xi32>
        %parallel_loop3A_203 = tpu.vector_load_idx %arg5[%parallel_loop3A_202] : memref<65808xf32, #tpu.memory_space<vmem>>[vector<16xi32>], vector<16xf32>,
        %parallel_loop3A_204 = arith.constant 640 : i32
        %parallel_loop3A_205 = arith.addi %parallel_loop3A_144, %parallel_loop3A_204 : i32
        %parallel_loop3A_206 = arith.index_cast %parallel_loop3A_205 : i32 to index
        %parallel_loop3A_207 = tpu.vector_load %arg8[%parallel_loop3A_206] {strides = array<i32>} : memref<16384xf32, #tpu.memory_space<vmem>>, vector<16xf32>,
        tpu.vector_store %arg8[%parallel_loop3A_206], %parallel_loop3A_203 {strides = array<i32>} : memref<16384xf32, #tpu.memory_space<vmem>>, vector<16xf32>,
        %parallel_loop3A_208 = arith.constant 6 : i32
        %parallel_loop3A_209 = vector.broadcast %parallel_loop3A_208 : i32 to vector<16xi32>
        %parallel_loop3A_210 = arith.addi %parallel_loop3A_159, %parallel_loop3A_209 : vector<16xi32>
        %parallel_loop3A_211 = tpu.vector_load_idx %arg5[%parallel_loop3A_210] : memref<65808xf32, #tpu.memory_space<vmem>>[vector<16xi32>], vector<16xf32>,
        %parallel_loop3A_212 = arith.constant 768 : i32
        %parallel_loop3A_213 = arith.addi %parallel_loop3A_144, %parallel_loop3A_212 : i32
        %parallel_loop3A_214 = arith.index_cast %parallel_loop3A_213 : i32 to index
        %parallel_loop3A_215 = tpu.vector_load %arg8[%parallel_loop3A_214] {strides = array<i32>} : memref<16384xf32, #tpu.memory_space<vmem>>, vector<16xf32>,
        tpu.vector_store %arg8[%parallel_loop3A_214], %parallel_loop3A_211 {strides = array<i32>} : memref<16384xf32, #tpu.memory_space<vmem>>, vector<16xf32>,
        %parallel_loop3A_216 = arith.constant 7 : i32
        %parallel_loop3A_217 = vector.broadcast %parallel_loop3A_216 : i32 to vector<16xi32>
        %parallel_loop3A_218 = arith.addi %parallel_loop3A_159, %parallel_loop3A_217 : vector<16xi32>
        %parallel_loop3A_219 = tpu.vector_load_idx %arg5[%parallel_loop3A_218] : memref<65808xf32, #tpu.memory_space<vmem>>[vector<16xi32>], vector<16xf32>,
        %parallel_loop3A_220 = arith.constant 896 : i32
        %parallel_loop3A_221 = arith.addi %parallel_loop3A_144, %parallel_loop3A_220 : i32
        %parallel_loop3A_222 = arith.index_cast %parallel_loop3A_221 : i32 to index
        %parallel_loop3A_223 = tpu.vector_load %arg8[%parallel_loop3A_222] {strides = array<i32>} : memref<16384xf32, #tpu.memory_space<vmem>>, vector<16xf32>,
        tpu.vector_store %arg8[%parallel_loop3A_222], %parallel_loop3A_219 {strides = array<i32>} : memref<16384xf32, #tpu.memory_space<vmem>>, vector<16xf32>,
      } {sc.loop_unroll_factor = 4 : i64, sc.parallel_access}
      %add3A_91 = arith.constant 1 : i32
      %add3A_92 = arith.addi %add3A_32, %add3A_91 : i32
      %add3A_93 = arith.addi %mul3A_2, %add3A_92 : i32
      %mul3A_94 = arith.constant 4096 : i32
      %mul3A_95 = arith.muli %add3A_93, %mul3A_94 : i32
      %mul3A_96 = arith.constant 8 : i32
      %mul3A_97 = arith.muli %mul3A_95, %mul3A_96 : i32
      %add3A_98 = arith.constant 0 : i32
      %add3A_99 = arith.addi %mul3A_97, %add3A_98 : i32
      %dma_start3A_100 = tpu.memref_slice %arg4[%add3A_99] : memref<134217728xf32, #tpu.memory_space<hbm>> -> memref<16384xf32, #tpu.memory_space<hbm>>
      %dma_start3A_101 = tpu.memref_slice %arg4[%add3A_99] : memref<134217728xf32, #tpu.memory_space<hbm>> -> memref<16384xf32, #tpu.memory_space<hbm>>
      tpu.enqueue_dma source(%arg8 : memref<16384xf32, #tpu.memory_space<vmem>>) target(%dma_start3A_101 : memref<16384xf32, #tpu.memory_space<hbm>>) target_semaphore(%arg12 : memref<!tpu.dma_semaphore, #tpu.memory_space<semaphore_mem>>)
      %dma_wait3A_102 = arith.constant 0 : i32
      %dma_wait3A_103 = tpu.memref_slice %arg4[%dma_wait3A_102] : memref<134217728xf32, #tpu.memory_space<hbm>> -> memref<16384xf32, #tpu.memory_space<hbm>>
      %dma_wait3A_104 = arith.constant 0 : i32
      %dma_wait3A_105 = tpu.memref_slice %arg4[%dma_wait3A_104] : memref<134217728xf32, #tpu.memory_space<hbm>> -> memref<16384xf32, #tpu.memory_space<hbm>>
      tpu.wait_dma2 semaphore(%arg13 : memref<!tpu.dma_semaphore, #tpu.memory_space<semaphore_mem>>) src(%arg9 : memref<16384xf32, #tpu.memory_space<vmem>>) dst(%dma_wait3A_105 : memref<16384xf32, #tpu.memory_space<hbm>>)
      %parallel_loop3A_106 = arith.constant 0 : i32
      %parallel_loop3A_107 = arith.constant 128 : i32
      %parallel_loop3A_108 = arith.constant 1 : i32
      scf.for %parallel_loop3A_120 = %parallel_loop3A_106 to %parallel_loop3A_107 step %parallel_loop3A_108  : i32 {
        %parallel_loop3A_121 = arith.constant 5 : i32
        %parallel_loop3A_122 = arith.shrui %parallel_loop3A_120, %parallel_loop3A_121 : i32
        %parallel_loop3A_123 = arith.constant 3 : i32
        %parallel_loop3A_124 = arith.shrui %parallel_loop3A_120, %parallel_loop3A_123 : i32
        %parallel_loop3A_125 = arith.constant 3 : i32
        %parallel_loop3A_126 = arith.andi %parallel_loop3A_124, %parallel_loop3A_125 : i32
        %parallel_loop3A_127 = arith.constant 7 : i32
        %parallel_loop3A_128 = arith.andi %parallel_loop3A_120, %parallel_loop3A_127 : i32
        %parallel_loop3A_129 = arith.constant 4 : i32
        %parallel_loop3A_130 = arith.shli %parallel_loop3A_128, %parallel_loop3A_129 : i32
        %parallel_loop3A_131 = arith.constant 8 : i32
        %parallel_loop3A_132 = arith.muli %parallel_loop3A_122, %parallel_loop3A_131 : i32
        %parallel_loop3A_133 = arith.constant 4 : i32
        %parallel_loop3A_134 = arith.addi %parallel_loop3A_126, %parallel_loop3A_133 : i32
        %parallel_loop3A_135 = arith.addi %parallel_loop3A_132, %parallel_loop3A_134 : i32
        %parallel_loop3A_136 = arith.constant 7 : i32
        %parallel_loop3A_137 = arith.shli %parallel_loop3A_135, %parallel_loop3A_136 : i32
        %parallel_loop3A_138 = arith.addi %parallel_loop3A_137, %parallel_loop3A_130 : i32
        %parallel_loop3A_139 = arith.constant 4 : i32
        %parallel_loop3A_140 = arith.muli %parallel_loop3A_126, %parallel_loop3A_139 : i32
        %parallel_loop3A_141 = arith.addi %parallel_loop3A_140, %parallel_loop3A_122 : i32
        %parallel_loop3A_142 = arith.constant 10 : i32
        %parallel_loop3A_143 = arith.shli %parallel_loop3A_141, %parallel_loop3A_142 : i32
        %parallel_loop3A_144 = arith.addi %parallel_loop3A_143, %parallel_loop3A_130 : i32
        %parallel_loop3A_145 = arith.index_cast %parallel_loop3A_138 : i32 to index
        %parallel_loop3A_146 = tpu.vector_load %arg7[%parallel_loop3A_145] {strides = array<i32>} : memref<4096xi32, #tpu.memory_space<vmem>>, vector<16xi32>,
        %parallel_loop3A_147 = arith.constant -1 : i32
        %parallel_loop3A_148 = vector.broadcast %parallel_loop3A_147 : i32 to vector<16xi32>
        %parallel_loop3A_149 = arith.maxsi %parallel_loop3A_146, %parallel_loop3A_148 : vector<16xi32>
        %parallel_loop3A_150 = arith.constant 512 : i32
        %parallel_loop3A_151 = vector.broadcast %parallel_loop3A_150 : i32 to vector<16xi32>
        %parallel_loop3A_152 = arith.minsi %parallel_loop3A_149, %parallel_loop3A_151 : vector<16xi32>
        %parallel_loop3A_153 = arith.constant 1 : i32
        %parallel_loop3A_154 = vector.broadcast %parallel_loop3A_153 : i32 to vector<16xi32>
        %parallel_loop3A_155 = arith.addi %parallel_loop3A_152, %parallel_loop3A_154 : vector<16xi32>
        %parallel_loop3A_156 = arith.constant 3 : i32
        %parallel_loop3A_157 = vector.broadcast %parallel_loop3A_156 : i32 to vector<16xi32>
        %parallel_loop3A_158 = arith.shli %parallel_loop3A_155, %parallel_loop3A_157 : vector<16xi32>
        %parallel_loop3A_159 = arith.addi %mul3A_5, %parallel_loop3A_158 : vector<16xi32>
        %parallel_loop3A_160 = arith.constant 0 : i32
        %parallel_loop3A_161 = vector.broadcast %parallel_loop3A_160 : i32 to vector<16xi32>
        %parallel_loop3A_162 = arith.addi %parallel_loop3A_159, %parallel_loop3A_161 : vector<16xi32>
        %parallel_loop3A_163 = tpu.vector_load_idx %arg5[%parallel_loop3A_162] : memref<65808xf32, #tpu.memory_space<vmem>>[vector<16xi32>], vector<16xf32>,
        %parallel_loop3A_164 = arith.constant 0 : i32
        %parallel_loop3A_165 = arith.addi %parallel_loop3A_144, %parallel_loop3A_164 : i32
        %parallel_loop3A_166 = arith.index_cast %parallel_loop3A_165 : i32 to index
        %parallel_loop3A_167 = tpu.vector_load %arg9[%parallel_loop3A_166] {strides = array<i32>} : memref<16384xf32, #tpu.memory_space<vmem>>, vector<16xf32>,
        tpu.vector_store %arg9[%parallel_loop3A_166], %parallel_loop3A_163 {strides = array<i32>} : memref<16384xf32, #tpu.memory_space<vmem>>, vector<16xf32>,
        %parallel_loop3A_168 = arith.constant 1 : i32
        %parallel_loop3A_169 = vector.broadcast %parallel_loop3A_168 : i32 to vector<16xi32>
        %parallel_loop3A_170 = arith.addi %parallel_loop3A_159, %parallel_loop3A_169 : vector<16xi32>
        %parallel_loop3A_171 = tpu.vector_load_idx %arg5[%parallel_loop3A_170] : memref<65808xf32, #tpu.memory_space<vmem>>[vector<16xi32>], vector<16xf32>,
        %parallel_loop3A_172 = arith.constant 128 : i32
        %parallel_loop3A_173 = arith.addi %parallel_loop3A_144, %parallel_loop3A_172 : i32
        %parallel_loop3A_174 = arith.index_cast %parallel_loop3A_173 : i32 to index
        %parallel_loop3A_175 = tpu.vector_load %arg9[%parallel_loop3A_174] {strides = array<i32>} : memref<16384xf32, #tpu.memory_space<vmem>>, vector<16xf32>,
        tpu.vector_store %arg9[%parallel_loop3A_174], %parallel_loop3A_171 {strides = array<i32>} : memref<16384xf32, #tpu.memory_space<vmem>>, vector<16xf32>,
        %parallel_loop3A_176 = arith.constant 2 : i32
        %parallel_loop3A_177 = vector.broadcast %parallel_loop3A_176 : i32 to vector<16xi32>
        %parallel_loop3A_178 = arith.addi %parallel_loop3A_159, %parallel_loop3A_177 : vector<16xi32>
        %parallel_loop3A_179 = tpu.vector_load_idx %arg5[%parallel_loop3A_178] : memref<65808xf32, #tpu.memory_space<vmem>>[vector<16xi32>], vector<16xf32>,
        %parallel_loop3A_180 = arith.constant 256 : i32
        %parallel_loop3A_181 = arith.addi %parallel_loop3A_144, %parallel_loop3A_180 : i32
        %parallel_loop3A_182 = arith.index_cast %parallel_loop3A_181 : i32 to index
        %parallel_loop3A_183 = tpu.vector_load %arg9[%parallel_loop3A_182] {strides = array<i32>} : memref<16384xf32, #tpu.memory_space<vmem>>, vector<16xf32>,
        tpu.vector_store %arg9[%parallel_loop3A_182], %parallel_loop3A_179 {strides = array<i32>} : memref<16384xf32, #tpu.memory_space<vmem>>, vector<16xf32>,
        %parallel_loop3A_184 = arith.constant 3 : i32
        %parallel_loop3A_185 = vector.broadcast %parallel_loop3A_184 : i32 to vector<16xi32>
        %parallel_loop3A_186 = arith.addi %parallel_loop3A_159, %parallel_loop3A_185 : vector<16xi32>
        %parallel_loop3A_187 = tpu.vector_load_idx %arg5[%parallel_loop3A_186] : memref<65808xf32, #tpu.memory_space<vmem>>[vector<16xi32>], vector<16xf32>,
        %parallel_loop3A_188 = arith.constant 384 : i32
        %parallel_loop3A_189 = arith.addi %parallel_loop3A_144, %parallel_loop3A_188 : i32
        %parallel_loop3A_190 = arith.index_cast %parallel_loop3A_189 : i32 to index
        %parallel_loop3A_191 = tpu.vector_load %arg9[%parallel_loop3A_190] {strides = array<i32>} : memref<16384xf32, #tpu.memory_space<vmem>>, vector<16xf32>,
        tpu.vector_store %arg9[%parallel_loop3A_190], %parallel_loop3A_187 {strides = array<i32>} : memref<16384xf32, #tpu.memory_space<vmem>>, vector<16xf32>,
        %parallel_loop3A_192 = arith.constant 4 : i32
        %parallel_loop3A_193 = vector.broadcast %parallel_loop3A_192 : i32 to vector<16xi32>
        %parallel_loop3A_194 = arith.addi %parallel_loop3A_159, %parallel_loop3A_193 : vector<16xi32>
        %parallel_loop3A_195 = tpu.vector_load_idx %arg5[%parallel_loop3A_194] : memref<65808xf32, #tpu.memory_space<vmem>>[vector<16xi32>], vector<16xf32>,
        %parallel_loop3A_196 = arith.constant 512 : i32
        %parallel_loop3A_197 = arith.addi %parallel_loop3A_144, %parallel_loop3A_196 : i32
        %parallel_loop3A_198 = arith.index_cast %parallel_loop3A_197 : i32 to index
        %parallel_loop3A_199 = tpu.vector_load %arg9[%parallel_loop3A_198] {strides = array<i32>} : memref<16384xf32, #tpu.memory_space<vmem>>, vector<16xf32>,
        tpu.vector_store %arg9[%parallel_loop3A_198], %parallel_loop3A_195 {strides = array<i32>} : memref<16384xf32, #tpu.memory_space<vmem>>, vector<16xf32>,
        %parallel_loop3A_200 = arith.constant 5 : i32
        %parallel_loop3A_201 = vector.broadcast %parallel_loop3A_200 : i32 to vector<16xi32>
        %parallel_loop3A_202 = arith.addi %parallel_loop3A_159, %parallel_loop3A_201 : vector<16xi32>
        %parallel_loop3A_203 = tpu.vector_load_idx %arg5[%parallel_loop3A_202] : memref<65808xf32, #tpu.memory_space<vmem>>[vector<16xi32>], vector<16xf32>,
        %parallel_loop3A_204 = arith.constant 640 : i32
        %parallel_loop3A_205 = arith.addi %parallel_loop3A_144, %parallel_loop3A_204 : i32
        %parallel_loop3A_206 = arith.index_cast %parallel_loop3A_205 : i32 to index
        %parallel_loop3A_207 = tpu.vector_load %arg9[%parallel_loop3A_206] {strides = array<i32>} : memref<16384xf32, #tpu.memory_space<vmem>>, vector<16xf32>,
        tpu.vector_store %arg9[%parallel_loop3A_206], %parallel_loop3A_203 {strides = array<i32>} : memref<16384xf32, #tpu.memory_space<vmem>>, vector<16xf32>,
        %parallel_loop3A_208 = arith.constant 6 : i32
        %parallel_loop3A_209 = vector.broadcast %parallel_loop3A_208 : i32 to vector<16xi32>
        %parallel_loop3A_210 = arith.addi %parallel_loop3A_159, %parallel_loop3A_209 : vector<16xi32>
        %parallel_loop3A_211 = tpu.vector_load_idx %arg5[%parallel_loop3A_210] : memref<65808xf32, #tpu.memory_space<vmem>>[vector<16xi32>], vector<16xf32>,
        %parallel_loop3A_212 = arith.constant 768 : i32
        %parallel_loop3A_213 = arith.addi %parallel_loop3A_144, %parallel_loop3A_212 : i32
        %parallel_loop3A_214 = arith.index_cast %parallel_loop3A_213 : i32 to index
        %parallel_loop3A_215 = tpu.vector_load %arg9[%parallel_loop3A_214] {strides = array<i32>} : memref<16384xf32, #tpu.memory_space<vmem>>, vector<16xf32>,
        tpu.vector_store %arg9[%parallel_loop3A_214], %parallel_loop3A_211 {strides = array<i32>} : memref<16384xf32, #tpu.memory_space<vmem>>, vector<16xf32>,
        %parallel_loop3A_216 = arith.constant 7 : i32
        %parallel_loop3A_217 = vector.broadcast %parallel_loop3A_216 : i32 to vector<16xi32>
        %parallel_loop3A_218 = arith.addi %parallel_loop3A_159, %parallel_loop3A_217 : vector<16xi32>
        %parallel_loop3A_219 = tpu.vector_load_idx %arg5[%parallel_loop3A_218] : memref<65808xf32, #tpu.memory_space<vmem>>[vector<16xi32>], vector<16xf32>,
        %parallel_loop3A_220 = arith.constant 896 : i32
        %parallel_loop3A_221 = arith.addi %parallel_loop3A_144, %parallel_loop3A_220 : i32
        %parallel_loop3A_222 = arith.index_cast %parallel_loop3A_221 : i32 to index
        %parallel_loop3A_223 = tpu.vector_load %arg9[%parallel_loop3A_222] {strides = array<i32>} : memref<16384xf32, #tpu.memory_space<vmem>>, vector<16xf32>,
        tpu.vector_store %arg9[%parallel_loop3A_222], %parallel_loop3A_219 {strides = array<i32>} : memref<16384xf32, #tpu.memory_space<vmem>>, vector<16xf32>,
      } {sc.loop_unroll_factor = 4 : i64, sc.parallel_access}
      %add3A_109 = arith.constant 1 : i32
      %add3A_110 = arith.addi %add3A_32, %add3A_109 : i32
      %add3A_111 = arith.addi %mul3A_2, %add3A_110 : i32
      %mul3A_112 = arith.constant 4096 : i32
      %mul3A_113 = arith.muli %add3A_111, %mul3A_112 : i32
      %mul3A_114 = arith.constant 8 : i32
      %mul3A_115 = arith.muli %mul3A_113, %mul3A_114 : i32
      %add3A_116 = arith.constant 16384 : i32
      %add3A_117 = arith.addi %mul3A_115, %add3A_116 : i32
      %dma_start3A_118 = tpu.memref_slice %arg4[%add3A_117] : memref<134217728xf32, #tpu.memory_space<hbm>> -> memref<16384xf32, #tpu.memory_space<hbm>>
      %dma_start3A_119 = tpu.memref_slice %arg4[%add3A_117] : memref<134217728xf32, #tpu.memory_space<hbm>> -> memref<16384xf32, #tpu.memory_space<hbm>>
      tpu.enqueue_dma source(%arg9 : memref<16384xf32, #tpu.memory_space<vmem>>) target(%dma_start3A_119 : memref<16384xf32, #tpu.memory_space<hbm>>) target_semaphore(%arg13 : memref<!tpu.dma_semaphore, #tpu.memory_space<semaphore_mem>>)
    }
    %scan3A_20 = arith.constant 64 : i32
    %dma_wait3A = arith.constant 0 : i32
    %dma_wait3A_21 = tpu.memref_slice %arg4[%dma_wait3A] : memref<134217728xf32, #tpu.memory_space<hbm>> -> memref<16384xf32, #tpu.memory_space<hbm>>
    %dma_wait3A_22 = arith.constant 0 : i32
    %dma_wait3A_23 = tpu.memref_slice %arg4[%dma_wait3A_22] : memref<134217728xf32, #tpu.memory_space<hbm>> -> memref<16384xf32, #tpu.memory_space<hbm>>
    tpu.wait_dma2 semaphore(%arg12 : memref<!tpu.dma_semaphore, #tpu.memory_space<semaphore_mem>>) src(%arg8 : memref<16384xf32, #tpu.memory_space<vmem>>) dst(%dma_wait3A_23 : memref<16384xf32, #tpu.memory_space<hbm>>)
    %dma_wait3A_24 = arith.constant 0 : i32
    %dma_wait3A_25 = tpu.memref_slice %arg4[%dma_wait3A_24] : memref<134217728xf32, #tpu.memory_space<hbm>> -> memref<16384xf32, #tpu.memory_space<hbm>>
    %dma_wait3A_26 = arith.constant 0 : i32
    %dma_wait3A_27 = tpu.memref_slice %arg4[%dma_wait3A_26] : memref<134217728xf32, #tpu.memory_space<hbm>> -> memref<16384xf32, #tpu.memory_space<hbm>>
    tpu.wait_dma2 semaphore(%arg13 : memref<!tpu.dma_semaphore, #tpu.memory_space<semaphore_mem>>) src(%arg9 : memref<16384xf32, #tpu.memory_space<vmem>>) dst(%dma_wait3A_27 : memref<16384xf32, #tpu.memory_space<hbm>>)
    return
  }
}

</mosaic_0001>

<sc_bundles>
// kernel: kernel.3.cloned.1.call-start
scs
__scs_entry_jumppad:
0x0: {  	(pc) =	sbr.rel $0x88, $3  }
0x1: {  	(tag) =	ssettag $0x0;
	lr =	simm.s32 $0x1  }
0x2: {  	[smem:$0x3F9F] =	sst lr;
	_ =	strace $0xD0000000  }
0x3: {  	_ = 	snop  }
0x4: {  	_ = 	snop  }
0x5: {  	_ = 	snop  }
0x6: {  	_ = 	snop  }
0x7: {  	_ = 	snop  }
__scs_overlays_trampoline_lowered:
0x8: {  	[smem:$0x3FAE] =	sst s0  }
0x9: {  	[smem:$0x3FAF] =	sst s1  }
0xa: {  	[smem:$0x3FB0] =	sst s2  }
0xb: {  	[smem:$0x3FB1] =	sst s3  }
0xc: {  	[smem:$0x3FB2] =	sst s4  }
0xd: {  	[smem:$0x3FB3] =	sst s5  }
0xe: {  	[smem:$0x3FB4] =	sst s6  }
0xf: {  	[smem:$0x3FB5] =	sst s7  }
0x10: {  	[smem:$0x3FB6] =	sst s8  }
0x11: {  	[smem:$0x3FB7] =	sst s9;
	s0 =	simm.s32 @!p0 $0x0  }
0x12: {  	s1 =	sld [smem:$0x3F9D];
	s0 =	simm.s32 @p0 $0x1  }
0x13: {  	[smem:$0x3FB8] =	sst s0;
	s0 =	simm.s32 @!p1 $0x0  }
0x14: {  	s2 =	sld [smem:$0x3F9C];
	s0 =	simm.s32 @p1 $0x1  }
0x15: {  	[smem:$0x3FB9] =	sst s0;
	s0 =	simm.s32 @!p2 $0x0  }
0x16: {  	s3 =	sld [smem:$0x3FDB];
	s0 =	simm.s32 @p2 $0x1  }
0x17: {  	s4 =	simm.s32 $0x1BF5;
	[smem:$0x3FBB] =	sst s0  }
0x18: {  	s0 =	sld [smem:$0x3F9E];
	_ =	swait.ge [sflag:s4], $0x0  }
0x19: {  	s7 =	sld [smem:$0x3F9F]  }
0x1a: {  	s8 =	sadd.s32 $0xFFFFE003, lr  }
0x1b: {  	s9 =	sadd.s32 $0xFFFFFEF7, lr;
	s5 =	simm.s32 $0xFFFFFFFF;
	p2 =	slt.u32 s8, $0xFFFFF086  }
0x1c: {  	p1 =	slt.u32 s9, $0xF7A;
	s5 =	simm.s32 @!p2 $0x0  }
0x1d: {  	s5 =	simm.s32 @p1 $0x1;
	p0 =	seq.s32 s7, s2  }
0x1e: {  	s7 =	smul.u32 @!p0 $0xF7A, s2;
	p2 =	seq.s32 @!p0 s5, $0x0  }
0x1f: {  	s9 =	smul.u32 $0xF7A, s1;
	s8 =	simm.s32 @!p0 $0x1BF5;
	p2 =	por !p2, p0  }
0x20: {  	[sflag:s8] =	ssyncset.s32 @!p0 $0xFFFFF086;
	s6 =	sadd.s32 @!p0 s3, s7;
	s7 =	simm.s32 @!p0 $0x108  }
0x21: {  	s3 =	sadd.s32 s3, s9;
	s6 =	sadd.s32 @!p0 $0x88, s6;
	s7 =	simm.s32 @p2 $0x1082  }
0x22: {  	[simem:s7], [sflag:s8] =	dma.local @!p0 [hbm:s6], $0xF7A  }
0x23: {  	s9 =	sor.u32 $0xD0000000, s2;
	s6 =	simm.s32 $0x108;
	_ =	swait.ge @!p0 [sflag:s8], $0x0  }
0x24: {  	s3 =	sadd.s32 $0x88, s3;
	s6 =	simm.s32 @!p1 $0x1082;
	[sflag:s4] =	ssyncset.s32 $0xFFFFF086  }
0x25: {  	[simem:s6], [sflag:s4] =	dma.local [hbm:s3], $0xF7A  }
0x26: {  	[smem:$0x3F9F] =	sst s1;
	(tag) =	ssettag s2;
	_ =	strace s9  }
0x27: {  	s1 =	sld [smem:$0x3FAF]  }
0x28: {  	s2 =	sld [smem:$0x3FB0]  }
0x29: {  	s4 =	sld [smem:$0x3FB2]  }
0x2a: {  	p0 =	seq.s32 s5, $0x0;
	s5 =	sld [smem:$0x3FB3]  }
0x2b: {  	s6 =	sld [smem:$0x3FB4]  }
0x2c: {  	s7 =	sld [smem:$0x3FB5]  }
0x2d: {  	s3 =	simm.s32 $0x108;
	s8 =	sld [smem:$0x3FB6]  }
0x2e: {  	s3 =	simm.s32 @!p0 $0x1082;
	s9 =	sld [smem:$0x3FB7]  }
0x2f: {  	lr =	sadd.s32 s0, s3;
	s0 =	sld [smem:$0x3FAE]  }
0x30: {  	s3 =	sld [smem:$0x3FB1]  }
0x31: {  	[smem:$0x3FBA] =	sst s10  }
0x32: {  	s10 =	sld [smem:$0x3FB8];
	_ =	sdelay $0x3  }
0x33: {  	p0 =	seq.s32 s10, $0x1;
	s10 =	sld [smem:$0x3FBA];
	_ =	sdelay $0x3  }
0x34: {  	[smem:$0x3FBA] =	sst s10  }
0x35: {  	s10 =	sld [smem:$0x3FB9];
	_ =	sdelay $0x3  }
0x36: {  	p1 =	seq.s32 s10, $0x1;
	s10 =	sld [smem:$0x3FBA];
	_ =	sdelay $0x3  }
0x37: {  	[smem:$0x3FBA] =	sst s10  }
0x38: {  	s10 =	sld [smem:$0x3FBB]  }
0x39: {  	_ = 	snop;
	(pc) =	sbr.ind lr, $3  }
0x3a: {  	_ = 	snop  }
0x3b: {  	_ = 	snop  }
0x3c: {  	p2 =	seq.s32 s10, $0x1;
	s10 =	sld [smem:$0x3FBA]  }
0x3d: {  	_ =	shalt  }
0x3e: {  	_ =	shalt  }
0x3f: {  	_ =	shalt  }
0x40: {  	_ =	shalt  }
0x41: {  	_ =	shalt  }
0x42: {  	_ =	shalt  }
0x43: {  	_ =	shalt  }
0x44: {  	_ =	shalt  }
0x45: {  	_ =	shalt  }
0x46: {  	_ =	shalt  }
0x47: {  	_ =	shalt  }
0x48: {  	_ =	shalt  }
0x49: {  	_ =	shalt  }
0x4a: {  	_ =	shalt  }
0x4b: {  	_ =	shalt  }
0x4c: {  	_ =	shalt  }
0x4d: {  	_ =	shalt  }
0x4e: {  	_ =	shalt  }
0x4f: {  	_ =	shalt  }
0x50: {  	_ =	shalt  }
0x51: {  	_ =	shalt  }
0x52: {  	_ =	shalt  }
0x53: {  	_ =	shalt  }
0x54: {  	_ =	shalt  }
0x55: {  	_ =	shalt  }
0x56: {  	_ =	shalt  }
0x57: {  	_ =	shalt  }
0x58: {  	_ =	shalt  }
0x59: {  	_ =	shalt  }
0x5a: {  	_ =	shalt  }
0x5b: {  	_ =	shalt  }
0x5c: {  	_ =	shalt  }
0x5d: {  	_ =	shalt  }
0x5e: {  	_ =	shalt  }
0x5f: {  	_ =	shalt  }
0x60: {  	_ =	shalt  }
0x61: {  	_ =	shalt  }
0x62: {  	_ =	shalt  }
0x63: {  	_ =	shalt  }
0x64: {  	_ =	shalt  }
0x65: {  	_ =	shalt  }
0x66: {  	_ =	shalt  }
0x67: {  	_ =	shalt  }
0x68: {  	_ =	shalt  }
0x69: {  	_ =	shalt  }
0x6a: {  	_ =	shalt  }
0x6b: {  	_ =	shalt  }
0x6c: {  	_ =	shalt  }
0x6d: {  	_ =	shalt  }
0x6e: {  	_ =	shalt  }
0x6f: {  	_ =	shalt  }
0x70: {  	_ =	shalt  }
0x71: {  	_ =	shalt  }
0x72: {  	_ =	shalt  }
0x73: {  	_ =	shalt  }
0x74: {  	_ =	shalt  }
0x75: {  	_ =	shalt  }
0x76: {  	_ =	shalt  }
0x77: {  	_ =	shalt  }
0x78: {  	_ =	shalt  }
0x79: {  	_ =	shalt  }
0x7a: {  	_ =	shalt  }
0x7b: {  	_ =	shalt  }
0x7c: {  	_ =	shalt  }
0x7d: {  	_ =	shalt  }
0x7e: {  	_ =	shalt  }
0x7f: {  	_ =	shalt  }
0x80: {  	_ =	shalt  }
0x81: {  	_ =	shalt  }
0x82: {  	_ =	shalt  }
0x83: {  	_ =	shalt  }
0x84: {  	_ =	shalt  }
0x85: {  	_ =	shalt  }
0x86: {  	_ =	shalt  }
0x87: {  	_ =	shalt  }
.Lfunc_end0:
.L_simem_size_0:
called_computation_lowered:
.L_overlay_start_0:
0x88: {  	s2 =	sld [smem:$0x3FD9]  }
0x89: {  	s3 =	sld [smem:$0x3FFE];
	_ =	sdelay $0x1  }
0x8a: {  	s1 =	srdreg.scid  }
0x8b: {  	s0 =	sand.u32 $0x1, s1  }
0x8c: {  	s17 =	sshll.u32 s0, $0xA;
	s2 =	sadd.s32 s3, s2  }
0x8d: {  	s2 =	sadd.s32 s2, s17  }
0x8e: {  	[smem:$0x3FC6] =	sst s2  }
0x8f: {  	_ = 	snop  }
0x90: {  	s2 =	sld [smem:$0x3FC9]  }
0x91: {  	s18 =	sld [smem:$0x3FD0];
	(tm) =	ssettm $0x1  }
0x92: {  	s4 =	sld [smem:$0x3FFB];
	_ =	sdelay $0x3  }
0x93: {  	_ =	strace s4  }
0x94: {  	s4 =	sld [smem:$0x3FFC];
	_ =	sdelay $0x3  }
0x95: {  	_ =	strace s4  }
0x96: {  	s4 =	sld [smem:$0x3FFD];
	_ =	sdelay $0x3  }
0x97: {  	_ =	strace s4  }
0x98: {  	_ =	strace $0x8FFFFFFF  }
0x99: {  	s19 =	sld [smem:$0x3FDB];
	_ =	sdelay $0x1  }
0x9a: {  	s5 =	simm.s32 $_scs_section_size  }
0x9b: {  	s6 =	simm.s32 $_size__tile_overlayer_lowered;
	s7 =	simm.s32 $_tile_overlayer_lowered  }
0x9c: {  	s22 =	simm.s32 $0x1BFF;
	s21 =	sshll.u32 s7, $0x1;
	s4 =	sadd.s32 s5, s19  }
0x9d: {  	s8 =	simm.s32 $0x0;
	s20 =	sshll.u32 s6, $0x1;
	s6 =	sadd.s32 s21, s4  }
0x9e: {  	[timem:s8], [sflag:s22] =	dma.local [hbm:s6], s20  }
0x9f: {  	_ =	swait.ge [sflag:s22], s20  }
0xa0: {  	s5 =	ssub.s32 $0x0, s20;
	[sflag:s22] =	ssyncset.done $0x0  }
0xa1: {  	[sflag:s22] =	ssyncadd.s32 s5;
	_ =	sdelay $0x1  }
0xa2: {  	s23 =	simm.s32 $0x1B8B  }
0xa3: {  	_ =	swait.ge [sflag:s23], $0x1  }
0xa4: {  	[sflag:s23] =	ssyncset.done $0x0  }
0xa5: {  	s25 =	simm.s32 $0x1B8E;
	s24 =	sld [smem:$0x3FFE];
	[sflag:s23] =	ssyncadd.s32 $0xFFFFFFFF  }
0xa6: {  	s26 =	simm.s32 $execute0_lowered;
	[smem:$0x3FD2] =	sst s25  }
0xa7: {  	s6 =	sshll.u32 s26, $0x1;
	_ =	strace $0x80000046;
	[dreg:$0x1] =	wrdreg $0xFFFFFFFF  }
0xa8: {  	s28 =	simm.s32 $_size_execute0_lowered;
	s4 =	sadd.s32 s4, s6;
	[dreg:$0x0] =	wrdreg $0x0  }
0xa9: {  	s6 =	sshll.u32 s28, $0x1;
	[dreg:$0x2] =	wrdreg s4  }
0xaa: {  	[dreg:$0x3] =	wrdreg s6  }
0xab: {  	[dreg:$0x4] =	wrdreg $0xC0  }
0xac: {  	_ =	task [dreg:s8], $0x5FFFF  }
0xad: {  	[dreg:$0x1] =	wrdreg $0xFFFFFFFF  }
0xae: {  	[dreg:$0x0] =	wrdreg $0x60  }
0xaf: {  	[dreg:$0x2] =	wrdreg s2  }
0xb0: {  	[dreg:$0x3] =	wrdreg s24  }
0xb1: {  	[dreg:$0x4] =	wrdreg s18  }
0xb2: {  	[dreg:$0x5] =	wrdreg $0x9  }
0xb3: {  	_ =	task.clear_ibuf [dreg:s8], $0x6FFFF;
	_ =	strace $0x90000046  }
0xb4: {  	s29 =	simm.s32 $0x9;
	_ =	strace $0x80000048  }
0xb5: {  	_ =	swait.ge [sflag:s29], $0x1  }
0xb6: {  	[sflag:s29] =	ssyncadd.s32 $0xFFFFFFFF  }
0xb7: {  	_ =	strace $0x90000048  }
0xb8: {  	_ =	sfence  }
0xb9: {  	s30 =	sld [smem:$0x0];
	_ =	sdelay $0x2  }
0xba: {  	s31 =	sshll.u32 s1, $0xD;
	s1 =	sshrl.u32 s1, $0x2  }
0xbb: {  	s3 =	sand.u32 $0x4000, s31;
	s1 =	sadd.s32 s1, s30  }
0xbc: {  	s0 =	sor.u32 s3, s0;
	s1 =	sshll.u32 s1, $0x11  }
0xbd: {  	s0 =	sor.u32 s1, s0  }
0xbe: {  	s0 =	sadd.s32 $0x8F2B, s0  }
0xbf: {  	[sflag:s0] =	ssyncadd.remote.s32 $0x1  }
0xc0: {  	_ =	sfence.sel $0xFFFF  }
0xc1: {  	[dreg:$0x0] =	wrdreg $0xFFFFFFFF;
	(pc) =	sbr.abs _section_cstart, $3  }
0xc2: {  	[dreg:$0x1] =	wrdreg $0xFFFFFFFF  }
0xc3: {  	_ =	task.clear_ibuf [dreg:s8], $0x2FFFF;
	_ =	strace $0x9FFFFFFF  }
0xc4: {  	(tm) =	ssettm $0x7FFFFFFF  }
0xc5: {  	_ =	shalt  }
tec
execute0_lowered:
.L_overlay_start_1:
0x0: {  	(tag) =	ssettag $0x1  }
0x1: {  	s31 =	rddreg [dreg:$0x0]  }
0x2: {  	s0 =	rddreg [dreg:$0x1]  }
0x3: {  	s7 =	rddreg [dreg:$0x2];
	s1 =	srdreg.scid;
	s4 =	simm.s32 $0x0  }
0x4: {  	s3 =	stileid.u32;
	v0 =	vlaneseq.u32;
	s13 =	simm.s32 $0x1;
	s15 =	simm.s32 $0x12180  }
0x5: {  	s17 =	simm.s32 $0x2;
	s1 =	sand.u32 $0x1, s1;
	[smem:$0x7FF] =	sst s4;
	v1 =	vadd.s32 $0x1011, v0;
	v2 =	vadd.s32 $0x2022, v0;
	v3 =	vadd.s32 $0x3033, v0  }
0x6: {  	s5 =	sshll.u32 s3, $0x1;
	v4 =	vadd.s32 $0x4044, v0;
	v5 =	vadd.s32 $0x5055, v0;
	v6 =	vadd.s32 $0x6066, v0;
	s0 =	sadd.s32 $0x400, s0;
	s2 =	ssub.s32 $0x2, s1  }
0x7: {  	v7 =	vadd.s32 $0x7077, v0;
	v8 =	vadd.s32 $0x8088, v0;
	v9 =	vadd.s32 $0x9099, v0;
	_ =	strace $0x80000047;
	s1 =	sor.u32 s1, s5;
	[dreg:$0x4] =	wrdreg s0  }
0x8: {  	v10 =	vadd.s32 $0xA0AA, v0;
	v11 =	vadd.s32 $0xB0BB, v0;
	v23 =	vmul.u32 $0x1011, v0;
	s6 =	sshrl.u32 s2, $0x1;
	s30 =	sshll.u32 s1, $0x10;
	s1 =	sshll.u32 s1, $0x7  }
0x9: {  	v12 =	vadd.s32 $0xC0CC, v0;
	v13 =	vadd.s32 $0xD0DD, v0;
	v14 =	vadd.s32 $0xE0EE, v0;
	s29 =	ssub.s32 s2, s6;
	s2 =	sadd.s32 s31, s30;
	[dreg:$0x5] =	wrdreg s1  }
0xa: {  	s18 =	simm.s32 $0x3;
	v15 =	vadd.s32 $0xF0FF, v0;
	v16 =	vadd.s32 $0x8, v23;
	v17 =	vadd.s32 $0x9, v23;
	s1 =	sor.u32 $0x2, s1;
	[dreg:$0x6] =	wrdreg s2  }
0xb: {  	s19 =	simm.s32 $0x4;
	v18 =	vadd.s32 $0xA, v23;
	v19 =	vadd.s32 $0xB, v23;
	v20 =	vadd.s32 $0xC, v23;
	[dreg:$0x7] =	wrdreg s1;
	s0 =	smax.u32 s29, $0x1  }
0xc: {  	s8 =	sadd.s32 $0x800, s7;
	v21 =	vadd.s32 $0xD, v23;
	v22 =	vadd.s32 $0xE, v23;
	v23 =	vadd.s32 $0xF, v23;
	s1 =	simm.s32 $0x0;
	[dreg:$0x8] =	wrdreg s0  }
.LBB2_1:
0xd: {  	[dreg:$0x9] =	wrdreg s1  }
0xe: {  	s0 =	rddreg [dreg:$0x4];
	s30 =	simm.s32 $0x5  }
0xf: {  	[tilespmem:s15], [sflag:$0x5] =	stream.linear.gather [hbm4b:s0+s4], $0x1010, $0x38;
	[tilespmem:$0x1A180] =	vst v63  }
0x10: {  	_ =	swait.ge [sflag:s30], $0x1010  }
0x11: {  	[sflag:s30] =	ssyncset.done $0x0  }
0x12: {  	[sflag:s30] =	ssyncadd.s32 $0xFFFFEFF0  }
0x13: {  	v25 =	vor.u32 s4, v0;
	v24 =	vld [tilespmem:s15+$0x0]  }
0x14: {  	v26 =	vadd.s32 s4, v1  }
0x15: {  	v27 =	vadd.s32 s4, v2  }
0x16: {  	v28 =	vadd.s32 s4, v3  }
0x17: {  	v29 =	vadd.s32 s4, v4  }
0x18: {  	[tilespmem:v25+s4+$0x0] =	vst.idx.msk $0xffff, v24;
	v25 =	vadd.s32 s4, v5  }
0x19: {  	[tilespmem:v26+s4+$0x0] =	vst.idx.msk $0xffff, v24;
	v26 =	vadd.s32 s4, v6  }
0x1a: {  	[tilespmem:v27+s4+$0x0] =	vst.idx.msk $0xffff, v24;
	v27 =	vadd.s32 s4, v7  }
0x1b: {  	v60 =	vadd.s32 s4, v8;
	[tilespmem:v28+s4+$0x0] =	vst.idx.msk $0xffff, v24  }
0x1c: {  	v61 =	vadd.s32 s4, v9;
	[tilespmem:v29+s4+$0x0] =	vst.idx.msk $0xffff, v24  }
0x1d: {  	[tilespmem:v25+s4+$0x0] =	vst.idx.msk $0xffff, v24;
	v25 =	vadd.s32 s4, v10  }
0x1e: {  	[tilespmem:v26+s4+$0x0] =	vst.idx.msk $0xffff, v24;
	v26 =	vadd.s32 s4, v11  }
0x1f: {  	[tilespmem:v27+s4+$0x0] =	vst.idx.msk $0xffff, v24;
	v27 =	vadd.s32 s4, v12  }
0x20: {  	v62 =	vadd.s32 s4, v13;
	[tilespmem:v60+s4+$0x0] =	vst.idx.msk $0xffff, v24  }
0x21: {  	v63 =	vadd.s32 s4, v14;
	[tilespmem:v61+s4+$0x0] =	vst.idx.msk $0xffff, v24  }
0x22: {  	[tilespmem:v25+s4+$0x0] =	vst.idx.msk $0xffff, v24  }
0x23: {  	v25 =	vadd.s32 s4, v15;
	[tilespmem:v26+s4+$0x0] =	vst.idx.msk $0xffff, v24  }
0x24: {  	[tilespmem:v27+s4+$0x0] =	vst.idx.msk $0xffff, v24  }
0x25: {  	[tilespmem:v62+s4+$0x0] =	vst.idx.msk $0xffff, v24  }
0x26: {  	s1 =	simm.s32 $0x12180;
	s0 =	simm.s32 $0x10;
	[tilespmem:v63+s4+$0x0] =	vst.idx.msk $0xffff, v24  }
.LBB2_2:
0x27: {  	p0 =	sne.s32 s0, $0x1000  }
0x28: {  	[tilespmem:v25+s4+$0x0] =	vst.idx.msk $0xffff, v24;
	s1 =	sadd.s32 $0x10, s1;
	s2 =	smov.u32 s0;
	s0 =	sadd.s32 $0x10, s0  }
0x29: {  	v24 =	vld [tilespmem:s1+$0x0];
	v25 =	vor.u32 s2, v0  }
0x2a: {  	v26 =	vadd.s32 s2, v1  }
0x2b: {  	v27 =	vadd.s32 s2, v2  }
0x2c: {  	v28 =	vadd.s32 s2, v3  }
0x2d: {  	v29 =	vadd.s32 s2, v4  }
0x2e: {  	[tilespmem:v25+s4+$0x0] =	vst.idx.msk $0xffff, v24;
	v25 =	vadd.s32 s2, v5  }
0x2f: {  	[tilespmem:v26+s4+$0x0] =	vst.idx.msk $0xffff, v24;
	v26 =	vadd.s32 s2, v6  }
0x30: {  	[tilespmem:v27+s4+$0x0] =	vst.idx.msk $0xffff, v24;
	v27 =	vadd.s32 s2, v7  }
0x31: {  	[tilespmem:v28+s4+$0x0] =	vst.idx.msk $0xffff, v24;
	v28 =	vadd.s32 s2, v8  }
0x32: {  	[tilespmem:v29+s4+$0x0] =	vst.idx.msk $0xffff, v24;
	v29 =	vadd.s32 s2, v9  }
0x33: {  	[tilespmem:v25+s4+$0x0] =	vst.idx.msk $0xffff, v24;
	v25 =	vadd.s32 s2, v10  }
0x34: {  	[tilespmem:v26+s4+$0x0] =	vst.idx.msk $0xffff, v24;
	v26 =	vadd.s32 s2, v11  }
0x35: {  	[tilespmem:v27+s4+$0x0] =	vst.idx.msk $0xffff, v24;
	v27 =	vadd.s32 s2, v12  }
0x36: {  	[tilespmem:v28+s4+$0x0] =	vst.idx.msk $0xffff, v24;
	v28 =	vadd.s32 s2, v13  }
0x37: {  	[tilespmem:v29+s4+$0x0] =	vst.idx.msk $0xffff, v24;
	v29 =	vadd.s32 s2, v14  }
.Ltmp0:
0x38: {  	[tilespmem:v25+s4+$0x0] =	vst.idx.msk $0xffff, v24;
	v25 =	vadd.s32 s2, v15;
	(pc) =	sbr.rel @p0 .LBB2_2-.Ltmp0, $4  }
0x39: {  	[tilespmem:v26+s4+$0x0] =	vst.idx.msk $0xffff, v24  }
0x3a: {  	[tilespmem:v27+s4+$0x0] =	vst.idx.msk $0xffff, v24  }
0x3b: {  	[tilespmem:v28+s4+$0x0] =	vst.idx.msk $0xffff, v24  }
0x3c: {  	[tilespmem:v29+s4+$0x0] =	vst.idx.msk $0xffff, v24  }
0x3d: {  	_ =	sdelay $0x2  }
0x3e: {  	s2 =	simm.s32 $0x0  }
0x3f: {  	[tilespmem:v25+s4+$0x0] =	vst.idx.msk $0xffff, v24;
	s0 =	rddreg [dreg:$0x6];
	s1 =	simm.s32 $0x10180;
	s22 =	simm.s32 $0x0  }
0x40: {  	[tilespmem:s1], [sflag:$0x1] =	stream.linear.gather [hbm4b:s0+s2], $0x1000, $0x38;
	[tilespmem:$0x1A180] =	vst v63  }
.LBB2_4:
0x41: {  	s24 =	sshll.u32 s22, $0x1;
	s0 =	rddreg [dreg:$0x5]  }
0x42: {  	_ =	swait.ge [sflag:s13], $0x1000;
	s25 =	sor.u32 s24, s0  }
0x43: {  	s1 =	simm.s32 $0x11180;
	s12 =	simm.s32 $0x0;
	s23 =	sor.u32 $0x1, s25  }
0x44: {  	p0 =	seq.s32 s22, $0x0;
	s14 =	simm.s32 $0x0;
	s11 =	sshll.u32 s23, $0x9  }
0x45: {  	s20 =	simm.s32 $0x0;
	[sflag:s13] =	ssyncset.done $0x0;
	s0 =	sand.u32 $0x1FFFFE00, s11  }
0x46: {  	s2 =	sand.u32 $0x3, s12;
	[sflag:s13] =	ssyncadd.s32 $0xFFFFF000;
	s0 =	sadd.s32 s31, s0  }
0x47: {  	[tilespmem:s1], [sflag:$0x2] =	stream.linear.gather [hbm4b:s0+s4], $0x1000, $0x38;
	[tilespmem:$0x1A180] =	vst v63  }
0x48: {  	s5 =	simm.s32 @!p0 $0x3;
	s1 =	sand.u32 $0x1FFFFC00, s14;
	s0 =	sshll.u32 s2, $0x7  }
0x49: {  	_ =	swait.ge @!p0 [sflag:s5], $0x4000;
	s7 =	sor.u32 s0, s1;
	s0 =	sand.u32 $0x40, s20  }
0x4a: {  	[sflag:s5] =	ssyncset.done @!p0 $0x0;
	s7 =	sadd.s32 $0x10180, s7;
	s10 =	sor.u32 $0x10, s0  }
0x4b: {  	s11 =	sor.u32 $0x30, s0;
	[sflag:s5] =	ssyncadd.s32 @!p0 $0xFFFFC000;
	s21 =	sor.u32 s10, s7  }
0x4c: {  	s12 =	sor.u32 $0x20, s0;
	s26 =	sor.u32 s11, s7;
	v24 =	vld [tilespmem:s21+$0x0]  }
0x4d: {  	s3 =	sor.u32 s12, s7;
	v25 =	vld [tilespmem:s26+$0x0]  }
0x4e: {  	v26 =	vld [tilespmem:s3+$0x0];
	_ =	sdelay $0x2  }
0x4f: {  	v27 =	vshra.s32 v24, $0x1F  }
0x50: {  	v24 =	vor.u32 v27, v24;
	v27 =	vshra.s32 v25, $0x1F  }
0x51: {  	v28 =	vshra.s32 v26, $0x1F;
	vm0 =	vlt.s32 v24, $0x200;
	v27 =	vor.u32 v27, v25  }
0x52: {  	v26 =	vor.u32 v28, v26;
	v24 =	vnsel vm0, $0x200, v24;
	vm9 =	vlt.s32 v27, $0x200  }
0x53: {  	vm10 =	vlt.s32 v26, $0x200;
	v25 =	vshll.u32 v24, $0x3;
	v24 =	vnsel vm9, $0x200, v27  }
0x54: {  	v26 =	vnsel vm10, $0x200, v26;
	v27 =	vadd.s32 v16, v25;
	v24 =	vshll.u32 v24, $0x3  }
0x55: {  	v26 =	vshll.u32 v26, $0x3;
	v28 =	vadd.s32 v16, v24  }
0x56: {  	v29 =	vadd.s32 v16, v26  }
0x57: {  	s6 =	sor.u32 s0, s7  }
0x58: {  	v30 =	vld [tilespmem:s6+$0x0]  }
0x59: {  	s2 =	sshll.u32 s2, $0xC;
	v27 =	vld.idx.msk [tilespmem:v27+s4+$0x0], $0xffff  }
0x5a: {  	s1 =	sadd.s32 s1, s2;
	s7 =	simm.s32 $0x0;
	v31 =	vadd.s32 v17, v25;
	v28 =	vld.idx.msk [tilespmem:v28+s4+$0x0], $0xffff  }
0x5b: {  	s9 =	simm.s32 $0x80;
	s14 =	sadd.s32 $0x12180, s1;
	s7 =	sand.u32 $0x3, s7;
	v29 =	vld.idx.msk [tilespmem:v29+s4+$0x0], $0xffff  }
0x5c: {  	s29 =	sor.u32 s10, s14;
	s5 =	sand.u32 $0x1FFFFC00, s9;
	s10 =	sshll.u32 s7, $0x7;
	v32 =	vadd.s32 v17, v24  }
0x5d: {  	s2 =	simm.s32 $0x40;
	s1 =	sor.u32 s10, s5  }
0x5e: {  	s26 =	sor.u32 s11, s14;
	s11 =	sand.u32 $0x40, s2;
	s20 =	sadd.s32 $0x10180, s1;
	v33 =	vshra.s32 v30, $0x1F;
	v34 =	vadd.s32 v17, v26;
	[tilespmem:s29+$0x0] =	vst v27  }
0x5f: {  	s28 =	sor.u32 s12, s14;
	s12 =	sor.u32 s11, s20;
	v30 =	vor.u32 v33, v30;
	[tilespmem:s26+$0x0] =	vst v28;
	v28 =	vld.idx.msk [tilespmem:v31+s4+$0x0], $0xffff  }
0x60: {  	vm11 =	vlt.s32 v30, $0x200;
	[tilespmem:s28+$0x0] =	vst v29;
	v29 =	vld [tilespmem:s12+$0x0]  }
0x61: {  	v27 =	vnsel vm11, $0x200, v30;
	v30 =	vadd.s32 v18, v25;
	v31 =	vld.idx.msk [tilespmem:v32+s4+$0x0], $0xffff  }
0x62: {  	s3 =	sor.u32 $0x30, s11;
	v48 =	vadd.s32 v18, v24;
	v27 =	vshll.u32 v27, $0x3  }
0x63: {  	s1 =	sor.u32 $0x10, s11;
	s6 =	sor.u32 s3, s20;
	v34 =	vld.idx.msk [tilespmem:v34+s4+$0x0], $0xffff;
	v49 =	vadd.s32 v16, v27  }
0x64: {  	s21 =	sor.u32 s1, s20;
	v36 =	vld [tilespmem:s6+$0x0];
	[tilespmem:s29+$0x80] =	vst v28;
	v28 =	vadd.s32 v18, v26  }
0x65: {  	v35 =	vld [tilespmem:s21+$0x0]  }
0x66: {  	v37 =	vshra.s32 v29, $0x1F;
	[tilespmem:s26+$0x80] =	vst v31;
	v30 =	vld.idx.msk [tilespmem:v30+s4+$0x0], $0xffff  }
0x67: {  	v50 =	vadd.s32 v19, v25;
	v29 =	vor.u32 v37, v29;
	v31 =	vld.idx.msk [tilespmem:v48+s4+$0x0], $0xffff  }
0x68: {  	[tilespmem:s28+$0x80] =	vst v34;
	v33 =	vld.idx.msk [tilespmem:v49+s4+$0x0], $0xffff;
	vm12 =	vlt.s32 v29, $0x200  }
0x69: {  	s9 =	sor.u32 $0x20, s11;
	v51 =	vadd.s32 v17, v27;
	v34 =	vld.idx.msk [tilespmem:v28+s4+$0x0], $0xffff;
	v28 =	vnsel vm12, $0x200, v29;
	v29 =	vshra.s32 v36, $0x1F  }
0x6a: {  	s20 =	sor.u32 s9, s20;
	v40 =	vshra.s32 v35, $0x1F;
	v38 =	vadd.s32 v19, v24;
	v29 =	vor.u32 v29, v36  }
0x6b: {  	v39 =	vld [tilespmem:s20+$0x0];
	v41 =	vadd.s32 v19, v26;
	[tilespmem:s29+$0x100] =	vst v30;
	v28 =	vshll.u32 v28, $0x3;
	vm13 =	vlt.s32 v29, $0x200  }
0x6c: {  	s30 =	sor.u32 s0, s14;
	v30 =	vor.u32 v40, v35;
	v32 =	vld.idx.msk [tilespmem:v50+s4+$0x0], $0xffff;
	[tilespmem:s26+$0x100] =	vst v31;
	v31 =	vadd.s32 v16, v28;
	v29 =	vnsel vm13, $0x200, v29  }
0x6d: {  	v52 =	vadd.s32 v20, v25;
	[tilespmem:s30+$0x0] =	vst v33;
	vm14 =	vlt.s32 v30, $0x200;
	v29 =	vshll.u32 v29, $0x3  }
0x6e: {  	v37 =	vld.idx.msk [tilespmem:v51+s4+$0x0], $0xffff;
	v30 =	vnsel vm14, $0x200, v30;
	v56 =	vadd.s32 v16, v29  }
0x6f: {  	v60 =	vadd.s32 v18, v27;
	v53 =	vld.idx.msk [tilespmem:v38+s4+$0x0], $0xffff;
	v30 =	vshll.u32 v30, $0x3;
	[tilespmem:s28+$0x100] =	vst v34  }
0x70: {  	v55 =	vshra.s32 v39, $0x1F;
	v57 =	vadd.s32 v16, v30;
	v58 =	vld.idx.msk [tilespmem:v41+s4+$0x0], $0xffff  }
0x71: {  	v54 =	vadd.s32 v20, v24;
	v38 =	vor.u32 v55, v39;
	[tilespmem:s29+$0x180] =	vst v32;
	v59 =	vld.idx.msk [tilespmem:v31+s4+$0x0], $0xffff  }
0x72: {  	s20 =	sshll.u32 s7, $0xC;
	v61 =	vadd.s32 v17, v28;
	vm15 =	vlt.s32 v38, $0x200;
	v35 =	vld.idx.msk [tilespmem:v52+s4+$0x0], $0xffff  }
0x73: {  	s0 =	sadd.s32 s5, s20;
	v62 =	vadd.s32 v21, v25;
	v31 =	vnsel vm15, $0x200, v38;
	[tilespmem:s30+$0x80] =	vst v37;
	v43 =	vld.idx.msk [tilespmem:v56+s4+$0x0], $0xffff  }
0x74: {  	s21 =	sadd.s32 $0x12180, s0;
	v44 =	vadd.s32 v17, v29;
	v31 =	vshll.u32 v31, $0x3;
	v41 =	vld.idx.msk [tilespmem:v60+s4+$0x0], $0xffff  }
0x75: {  	s16 =	smov.u32 s31;
	s31 =	sor.u32 s11, s21;
	[tilespmem:s26+$0x180] =	vst v53;
	v63 =	vadd.s32 v16, v31;
	v40 =	vld.idx.msk [tilespmem:v57+s4+$0x0], $0xffff  }
0x76: {  	v45 =	vadd.s32 v17, v30;
	v42 =	vld.idx.msk [tilespmem:v54+s4+$0x0], $0xffff;
	[tilespmem:s31+$0x0] =	vst v59  }
0x77: {  	s0 =	sor.u32 s3, s21;
	v47 =	vadd.s32 v19, v27;
	[tilespmem:s29+$0x200] =	vst v35;
	v34 =	vld.idx.msk [tilespmem:v61+s4+$0x0], $0xffff  }
0x78: {  	v46 =	vadd.s32 v20, v26;
	v37 =	vld.idx.msk [tilespmem:v62+s4+$0x0], $0xffff;
	[tilespmem:s0+$0x0] =	vst v43  }
0x79: {  	s5 =	sor.u32 s1, s21;
	[tilespmem:s28+$0x180] =	vst v58;
	v36 =	vld.idx.msk [tilespmem:v44+s4+$0x0], $0xffff;
	v44 =	vadd.s32 v21, v24  }
0x7a: {  	v38 =	vld.idx.msk [tilespmem:v63+s4+$0x0], $0xffff;
	[tilespmem:s5+$0x0] =	vst v40;
	v43 =	vadd.s32 v22, v25  }
0x7b: {  	[tilespmem:s30+$0x100] =	vst v41;
	v39 =	vld.idx.msk [tilespmem:v45+s4+$0x0], $0xffff;
	v45 =	vadd.s32 v17, v31  }
0x7c: {  	[tilespmem:s26+$0x200] =	vst v42;
	v42 =	vadd.s32 v18, v29;
	v41 =	vld.idx.msk [tilespmem:v47+s4+$0x0], $0xffff  }
0x7d: {  	s10 =	simm.s32 $0x400;
	s7 =	simm.s32 $0x4;
	s12 =	sor.u32 s9, s21;
	v32 =	vadd.s32 v21, v26;
	v33 =	vadd.s32 v21, v31;
	v35 =	vadd.s32 v18, v30;
	v40 =	vld.idx.msk [tilespmem:v46+s4+$0x0], $0xffff  }
.LBB2_5:
0x7e: {  	s7 =	sadd.s32 $0x4, s7;
	s1 =	sshrl.u32 s10, $0x2;
	[tilespmem:s29+$0x280] =	vst v37;
	v37 =	vld.idx.msk [tilespmem:v44+s4+$0x0], $0xffff  }
0x7f: {  	s11 =	sshrl.u32 s7, $0x3;
	s1 =	sand.u32 $0x1FFFFC00, s1;
	p1 =	slt.u32 s7, $0x7C;
	[tilespmem:s12+$0x0] =	vst v38;
	v38 =	vadd.s32 v20, v27;
	v43 =	vld.idx.msk [tilespmem:v43+s4+$0x0], $0xffff  }
0x80: {  	s11 =	sand.u32 $0x3, s11;
	v44 =	vld.idx.msk [tilespmem:v45+s4+$0x0], $0xffff;
	[tilespmem:s0+$0x80] =	vst v36  }
0x81: {  	s14 =	sshll.u32 s11, $0x7;
	s11 =	sshll.u32 s11, $0xC;
	[tilespmem:s5+$0x80] =	vst v39;
	v36 =	vld.idx.msk [tilespmem:v42+s4+$0x0], $0xffff  }
0x82: {  	s2 =	sadd.s32 $0x40, s2;
	s20 =	sor.u32 s14, s1;
	s1 =	sadd.s32 s1, s11;
	v35 =	vld.idx.msk [tilespmem:v35+s4+$0x0], $0xffff;
	[tilespmem:s28+$0x200] =	vst v40  }
0x83: {  	s14 =	sand.u32 $0x40, s2;
	s3 =	sadd.s32 $0x10180, s20;
	s11 =	sadd.s32 $0x12180, s1;
	[tilespmem:s30+$0x180] =	vst v41;
	v39 =	vld.idx.msk [tilespmem:v32+s4+$0x0], $0xffff;
	v32 =	vmov v33  }
0x84: {  	s20 =	sor.u32 $0x10, s14;
	s21 =	sor.u32 $0x20, s14;
	v33 =	vadd.s32 v18, v31;
	s1 =	sor.u32 s14, s3;
	v38 =	vld.idx.msk [tilespmem:v38+s4+$0x0], $0xffff;
	[tilespmem:s26+$0x280] =	vst v37  }
0x85: {  	v40 =	vadd.s32 v19, v30;
	s6 =	sor.u32 s20, s3;
	s9 =	sor.u32 s21, s3;
	v37 =	vld [tilespmem:s1+$0x0];
	s1 =	sor.u32 s21, s11;
	[tilespmem:s29+$0x300] =	vst v43  }
0x86: {  	v42 =	vadd.s32 v21, v27;
	s21 =	sor.u32 $0x30, s14;
	v41 =	vld [tilespmem:s6+$0x0]  }
0x87: {  	s3 =	sor.u32 s21, s3;
	v43 =	vld [tilespmem:s9+$0x0];
	[tilespmem:s12+$0x80] =	vst v44;
	v44 =	vadd.s32 v22, v26  }
0x88: {  	v46 =	vadd.s32 v22, v27;
	v47 =	vadd.s32 v23, v26;
	v45 =	vld [tilespmem:s3+$0x0];
	[tilespmem:s5+$0x100] =	vst v35;
	v35 =	vadd.s32 v19, v29  }
0x89: {  	v48 =	vadd.s32 v23, v25;
	v25 =	vmov v30;
	v33 =	vld.idx.msk [tilespmem:v33+s4+$0x0], $0xffff;
	[tilespmem:s28+$0x280] =	vst v39;
	v39 =	vadd.s32 v22, v24  }
0x8a: {  	v50 =	vadd.s32 v20, v29;
	v49 =	vadd.s32 v20, v25;
	v51 =	vshra.s32 v37, $0x1F;
	v40 =	vld.idx.msk [tilespmem:v40+s4+$0x0], $0xffff;
	[tilespmem:s30+$0x200] =	vst v38  }
0x8b: {  	v26 =	vmovc v31;
	v38 =	vadd.s32 v19, v31;
	v30 =	vor.u32 v51, v37;
	v37 =	vshra.s32 v41, $0x1F;
	v42 =	vld.idx.msk [tilespmem:v42+s4+$0x0], $0xffff  }
0x8c: {  	vm0 =	vlt.s32 v30, $0x200;
	v31 =	vor.u32 v37, v41;
	v37 =	vshra.s32 v43, $0x1F;
	[tilespmem:s0+$0x100] =	vst v36;
	v36 =	vld.idx.msk [tilespmem:v44+s4+$0x0], $0xffff  }
0x8d: {  	v30 =	vnsel vm0, $0x200, v30;
	vm0 =	vlt.s32 v31, $0x200;
	v41 =	vshra.s32 v45, $0x1F;
	v35 =	vld.idx.msk [tilespmem:v35+s4+$0x0], $0xffff  }
0x8e: {  	v44 =	vshll.u32 v30, $0x3;
	v30 =	vnsel vm0, $0x200, v31;
	v31 =	vor.u32 v41, v45;
	[tilespmem:s31+$0x80] =	vst v34;
	v34 =	vld.idx.msk [tilespmem:v39+s4+$0x0], $0xffff  }
0x8f: {  	v39 =	vadd.s32 v16, v44;
	v30 =	vshll.u32 v30, $0x3;
	vm0 =	vlt.s32 v31, $0x200;
	[tilespmem:s12+$0x100] =	vst v33;
	v41 =	vld.idx.msk [tilespmem:v48+s4+$0x0], $0xffff  }
0x90: {  	v33 =	vor.u32 v37, v43;
	v45 =	vadd.s32 v16, v30;
	v31 =	vnsel vm0, $0x200, v31;
	[tilespmem:s5+$0x180] =	vst v40;
	v37 =	vld.idx.msk [tilespmem:v38+s4+$0x0], $0xffff  }
0x91: {  	vm0 =	vlt.s32 v33, $0x200;
	v38 =	vshll.u32 v31, $0x3;
	v40 =	vld.idx.msk [tilespmem:v49+s4+$0x0], $0xffff;
	[tilespmem:s30+$0x280] =	vst v42  }
0x92: {  	v31 =	vnsel vm0, $0x200, v33;
	v42 =	vadd.s32 v16, v38;
	v43 =	vld.idx.msk [tilespmem:v46+s4+$0x0], $0xffff;
	[tilespmem:s28+$0x300] =	vst v36  }
0x93: {  	v31 =	vshll.u32 v31, $0x3;
	v36 =	vadd.s32 v23, v24;
	v24 =	vmovc v29;
	v29 =	vmov v38;
	[tilespmem:s0+$0x180] =	vst v35;
	v35 =	vld.idx.msk [tilespmem:v47+s4+$0x0], $0xffff  }
0x94: {  	v33 =	vadd.s32 v21, v31;
	v38 =	vld.idx.msk [tilespmem:v39+s4+$0x0], $0xffff;
	v39 =	vadd.s32 v23, v27;
	[tilespmem:s26+$0x300] =	vst v34;
	v27 =	vmov v28  }
0x95: {  	v28 =	vmov v44;
	v34 =	vadd.s32 v18, v27;
	v46 =	vld.idx.msk [tilespmem:v50+s4+$0x0], $0xffff;
	[tilespmem:s29+$0x380] =	vst v41;
	s29 =	smov.u32 s5  }
0x96: {  	v41 =	vadd.s32 v17, v28;
	v44 =	vld.idx.msk [tilespmem:v45+s4+$0x0], $0xffff;
	[tilespmem:s12+$0x180] =	vst v37  }
0x97: {  	v45 =	vadd.s32 v17, v30;
	v37 =	vadd.s32 v21, v25;
	v42 =	vld.idx.msk [tilespmem:v42+s4+$0x0], $0xffff;
	[tilespmem:s29+$0x200] =	vst v40  }
0x98: {  	v40 =	vadd.s32 v16, v31;
	[tilespmem:s30+$0x300] =	vst v43;
	v47 =	vld.idx.msk [tilespmem:v36+s4+$0x0], $0xffff  }
0x99: {  	s3 =	sor.u32 s14, s11;
	v36 =	vadd.s32 v17, v29;
	v48 =	vld.idx.msk [tilespmem:v39+s4+$0x0], $0xffff;
	[tilespmem:s28+$0x380] =	vst v35;
	s28 =	smov.u32 s12;
	s12 =	smov.u32 s1  }
0x9a: {  	[tilespmem:s3+$0x0] =	vst v38;
	v49 =	vld.idx.msk [tilespmem:v34+s4+$0x0], $0xffff  }
0x9b: {  	s5 =	sor.u32 s20, s11;
	v34 =	vld.idx.msk [tilespmem:v41+s4+$0x0], $0xffff;
	v41 =	vadd.s32 v20, v26;
	[tilespmem:s0+$0x200] =	vst v46  }
0x9c: {  	s1 =	sor.u32 s21, s11;
	v46 =	vadd.s32 v19, v27;
	[tilespmem:s5+$0x0] =	vst v44;
	v37 =	vld.idx.msk [tilespmem:v37+s4+$0x0], $0xffff  }
.Ltmp1:
0x9d: {  	v44 =	vadd.s32 v21, v24;
	v38 =	vld.idx.msk [tilespmem:v40+s4+$0x0], $0xffff;
	[tilespmem:s1+$0x0] =	vst v42;
	(pc) =	sbr.rel @p1 .LBB2_5-.Ltmp1, $4  }
0x9e: {  	v43 =	vadd.s32 v22, v25;
	v35 =	vadd.s32 v18, v30;
	v36 =	vld.idx.msk [tilespmem:v36+s4+$0x0], $0xffff;
	[tilespmem:s26+$0x380] =	vst v47;
	s26 =	smov.u32 s0;
	s0 =	smov.u32 s1  }
0x9f: {  	v39 =	vld.idx.msk [tilespmem:v45+s4+$0x0], $0xffff;
	v45 =	vadd.s32 v17, v31;
	[tilespmem:s30+$0x380] =	vst v48;
	s30 =	smov.u32 s31;
	s31 =	smov.u32 s3  }
0xa0: {  	v42 =	vadd.s32 v18, v29;
	[tilespmem:s30+$0x100] =	vst v49;
	v40 =	vld.idx.msk [tilespmem:v41+s4+$0x0], $0xffff  }
0xa1: {  	s10 =	sadd.s32 $0x200, s10;
	v41 =	vld.idx.msk [tilespmem:v46+s4+$0x0], $0xffff  }
0xa2: {  	_ =	sdelay $0x1  }
0xa3: {  	[tilespmem:s12+$0x0] =	vst v38  }
0xa4: {  	[tilespmem:s29+$0x280] =	vst v37  }
0xa5: {  	v61 =	vld.idx.msk [tilespmem:v44+s4+$0x0], $0xffff;
	[tilespmem:s31+$0x80] =	vst v34  }
0xa6: {  	v62 =	vadd.s32 v18, v28;
	v38 =	vld.idx.msk [tilespmem:v45+s4+$0x0], $0xffff;
	[tilespmem:s0+$0x80] =	vst v36  }
0xa7: {  	v60 =	vadd.s32 v18, v31;
	v43 =	vld.idx.msk [tilespmem:v43+s4+$0x0], $0xffff;
	[tilespmem:s5+$0x80] =	vst v39  }
0xa8: {  	v63 =	vadd.s32 v20, v27;
	v46 =	vld.idx.msk [tilespmem:v42+s4+$0x0], $0xffff;
	[tilespmem:s28+$0x200] =	vst v40  }
0xa9: {  	v25 =	vadd.s32 v23, v25;
	v35 =	vld.idx.msk [tilespmem:v35+s4+$0x0], $0xffff;
	[tilespmem:s30+$0x180] =	vst v41  }
0xaa: {  	v45 =	vadd.s32 v19, v30;
	v32 =	vld.idx.msk [tilespmem:v32+s4+$0x0], $0xffff;
	[tilespmem:s26+$0x280] =	vst v61  }
0xab: {  	v48 =	vadd.s32 v19, v29;
	v49 =	vld.idx.msk [tilespmem:v62+s4+$0x0], $0xffff;
	[tilespmem:s12+$0x80] =	vst v38  }
0xac: {  	v51 =	vadd.s32 v19, v28;
	[tilespmem:s29+$0x300] =	vst v43;
	v37 =	vld.idx.msk [tilespmem:v60+s4+$0x0], $0xffff  }
0xad: {  	v47 =	vadd.s32 v19, v31;
	v50 =	vld.idx.msk [tilespmem:v63+s4+$0x0], $0xffff;
	[tilespmem:s0+$0x100] =	vst v46  }
0xae: {  	v53 =	vadd.s32 v22, v26;
	v25 =	vld.idx.msk [tilespmem:v25+s4+$0x0], $0xffff;
	[tilespmem:s5+$0x100] =	vst v35  }
0xaf: {  	v61 =	vadd.s32 v22, v24;
	v38 =	vld.idx.msk [tilespmem:v45+s4+$0x0], $0xffff;
	[tilespmem:s28+$0x280] =	vst v32  }
0xb0: {  	v54 =	vadd.s32 v20, v30;
	v34 =	vld.idx.msk [tilespmem:v48+s4+$0x0], $0xffff;
	[tilespmem:s31+$0x100] =	vst v49  }
0xb1: {  	v57 =	vadd.s32 v20, v29;
	v58 =	vld.idx.msk [tilespmem:v51+s4+$0x0], $0xffff;
	[tilespmem:s12+$0x100] =	vst v37  }
0xb2: {  	v60 =	vadd.s32 v20, v28;
	[tilespmem:s30+$0x200] =	vst v50;
	v55 =	vld.idx.msk [tilespmem:v47+s4+$0x0], $0xffff  }
0xb3: {  	v56 =	vadd.s32 v20, v31;
	v35 =	vld.idx.msk [tilespmem:v53+s4+$0x0], $0xffff;
	[tilespmem:s29+$0x380] =	vst v25  }
0xb4: {  	v52 =	vadd.s32 v21, v27;
	v45 =	vld.idx.msk [tilespmem:v61+s4+$0x0], $0xffff;
	[tilespmem:s5+$0x180] =	vst v38  }
0xb5: {  	v26 =	vadd.s32 v23, v26;
	[tilespmem:s0+$0x180] =	vst v34;
	v37 =	vld.idx.msk [tilespmem:v54+s4+$0x0], $0xffff  }
0xb6: {  	v62 =	vadd.s32 v21, v30;
	v36 =	vld.idx.msk [tilespmem:v57+s4+$0x0], $0xffff;
	[tilespmem:s31+$0x180] =	vst v58  }
0xb7: {  	v44 =	vadd.s32 v21, v29;
	v39 =	vld.idx.msk [tilespmem:v60+s4+$0x0], $0xffff;
	[tilespmem:s12+$0x180] =	vst v55  }
0xb8: {  	v46 =	vadd.s32 v21, v28;
	[tilespmem:s28+$0x300] =	vst v35;
	v63 =	vld.idx.msk [tilespmem:v56+s4+$0x0], $0xffff  }
0xb9: {  	v59 =	vld.idx.msk [tilespmem:v52+s4+$0x0], $0xffff;
	[tilespmem:s26+$0x300] =	vst v45  }
0xba: {  	v24 =	vadd.s32 v23, v24;
	v26 =	vld.idx.msk [tilespmem:v26+s4+$0x0], $0xffff;
	[tilespmem:s5+$0x200] =	vst v37  }
0xbb: {  	v47 =	vadd.s32 v22, v27;
	[tilespmem:s0+$0x200] =	vst v36;
	v34 =	vld.idx.msk [tilespmem:v62+s4+$0x0], $0xffff  }
0xbc: {  	v48 =	vadd.s32 v22, v30;
	v32 =	vld.idx.msk [tilespmem:v44+s4+$0x0], $0xffff;
	[tilespmem:s31+$0x200] =	vst v39  }
0xbd: {  	v50 =	vadd.s32 v22, v29;
	v35 =	vld.idx.msk [tilespmem:v46+s4+$0x0], $0xffff;
	[tilespmem:s12+$0x200] =	vst v63  }
0xbe: {  	v25 =	vadd.s32 v22, v28;
	[tilespmem:s30+$0x280] =	vst v59;
	v33 =	vld.idx.msk [tilespmem:v33+s4+$0x0], $0xffff  }
0xbf: {  	v49 =	vadd.s32 v22, v31;
	v24 =	vld.idx.msk [tilespmem:v24+s4+$0x0], $0xffff;
	[tilespmem:s28+$0x380] =	vst v26  }
0xc0: {  	v51 =	vld.idx.msk [tilespmem:v47+s4+$0x0], $0xffff;
	[tilespmem:s5+$0x280] =	vst v34  }
0xc1: {  	v27 =	vadd.s32 v23, v27;
	[tilespmem:s0+$0x280] =	vst v32;
	v34 =	vld.idx.msk [tilespmem:v48+s4+$0x0], $0xffff  }
0xc2: {  	v30 =	vadd.s32 v23, v30;
	v53 =	vld.idx.msk [tilespmem:v50+s4+$0x0], $0xffff;
	[tilespmem:s31+$0x280] =	vst v35  }
0xc3: {  	v29 =	vadd.s32 v23, v29;
	v25 =	vld.idx.msk [tilespmem:v25+s4+$0x0], $0xffff;
	[tilespmem:s12+$0x280] =	vst v33  }
0xc4: {  	v26 =	vadd.s32 v23, v28;
	[tilespmem:s26+$0x380] =	vst v24;
	v52 =	vld.idx.msk [tilespmem:v49+s4+$0x0], $0xffff  }
0xc5: {  	v31 =	vadd.s32 v23, v31;
	[tilespmem:s30+$0x300] =	vst v51  }
0xc6: {  	v27 =	vld.idx.msk [tilespmem:v27+s4+$0x0], $0xffff;
	[tilespmem:s5+$0x300] =	vst v34  }
0xc7: {  	[tilespmem:s0+$0x300] =	vst v53;
	v28 =	vld.idx.msk [tilespmem:v30+s4+$0x0], $0xffff  }
0xc8: {  	[tilespmem:s31+$0x300] =	vst v25;
	v25 =	vld.idx.msk [tilespmem:v29+s4+$0x0], $0xffff  }
0xc9: {  	v24 =	vld.idx.msk [tilespmem:v26+s4+$0x0], $0xffff;
	[tilespmem:s12+$0x300] =	vst v52  }
0xca: {  	v30 =	vld.idx.msk [tilespmem:v31+s4+$0x0], $0xffff  }
0xcb: {  	[tilespmem:s30+$0x380] =	vst v27  }
0xcc: {  	[tilespmem:s5+$0x380] =	vst v28  }
0xcd: {  	[tilespmem:s0+$0x380] =	vst v25  }
0xce: {  	s25 =	sshll.u32 s25, $0xC;
	s9 =	rddreg [dreg:$0x2];
	[tilespmem:s31+$0x380] =	vst v24  }
0xcf: {  	s10 =	simm.s32 $0x0;
	s0 =	sadd.s32 s9, s25;
	[tilespmem:s12+$0x380] =	vst v30  }
0xd0: {  	[hbm4b:s0+s4] =	stream.linear.scatter [tilespmem:s15], [sflag:$0x3], $0x4000, $0x38;
	[tilespmem:$0x1A180] =	vst v63  }
0xd1: {  	s1 =	simm.s32 @!p0 $0x4;
	s2 =	simm.s32 $0x0;
	s0 =	sand.u32 $0x3, s10  }
0xd2: {  	s3 =	simm.s32 $0x0;
	s2 =	sand.u32 $0x1FFFFC00, s2;
	s11 =	sshll.u32 s0, $0x7  }
0xd3: {  	s3 =	sand.u32 $0x40, s3;
	_ =	swait.ge @!p0 [sflag:s1], $0x4000;
	s5 =	sor.u32 s11, s2  }
0xd4: {  	[sflag:s1] =	ssyncset.done @!p0 $0x0;
	s5 =	sor.u32 s3, s5  }
0xd5: {  	[sflag:s1] =	ssyncadd.s32 @!p0 $0xFFFFC000;
	s12 =	sadd.s32 $0x10180, s5  }
0xd6: {  	v24 =	vld [tilespmem:s12+$0x210];
	_ =	sdelay $0x1  }
0xd7: {  	v25 =	vld [tilespmem:s12+$0x200]  }
0xd8: {  	v26 =	vld [tilespmem:s12+$0x230];
	_ =	sdelay $0x1  }
0xd9: {  	v27 =	vshra.s32 v24, $0x1F  }
0xda: {  	v24 =	vor.u32 v27, v24  }
0xdb: {  	v27 =	vshra.s32 v25, $0x1F;
	vm0 =	vlt.s32 v24, $0x200  }
0xdc: {  	v25 =	vor.u32 v27, v25;
	v27 =	vshra.s32 v26, $0x1F;
	v24 =	vnsel vm0, $0x200, v24  }
0xdd: {  	vm9 =	vlt.s32 v25, $0x200;
	v28 =	vor.u32 v27, v26;
	v26 =	vshll.u32 v24, $0x3  }
0xde: {  	v24 =	vnsel vm9, $0x200, v25;
	vm10 =	vlt.s32 v28, $0x200;
	v25 =	vadd.s32 v16, v26  }
0xdf: {  	v29 =	vld [tilespmem:s12+$0x220];
	v27 =	vshll.u32 v24, $0x3;
	v24 =	vnsel vm10, $0x200, v28  }
0xe0: {  	v24 =	vshll.u32 v24, $0x3;
	v28 =	vadd.s32 v16, v27  }
0xe1: {  	v30 =	vadd.s32 v16, v24;
	_ =	sdelay $0x1  }
0xe2: {  	v31 =	vld.idx.msk [tilespmem:v25+s4+$0x0], $0xffff  }
0xe3: {  	s0 =	sshll.u32 s0, $0xC;
	v54 =	vadd.s32 v17, v26;
	v25 =	vshra.s32 v29, $0x1F  }
0xe4: {  	s0 =	sadd.s32 s2, s0;
	v25 =	vor.u32 v25, v29;
	v28 =	vld.idx.msk [tilespmem:v28+s4+$0x0], $0xffff  }
0xe5: {  	s0 =	sor.u32 s3, s0;
	vm11 =	vlt.s32 v25, $0x200;
	v29 =	vld.idx.msk [tilespmem:v30+s4+$0x0], $0xffff;
	v30 =	vadd.s32 v17, v27  }
0xe6: {  	s14 =	simm.s32 $0x0;
	s26 =	sadd.s32 $0x16180, s0;
	v55 =	vadd.s32 v17, v24;
	v25 =	vnsel vm11, $0x200, v25  }
0xe7: {  	s20 =	simm.s32 $0x80;
	s21 =	sand.u32 $0x3, s14;
	v25 =	vshll.u32 v25, $0x3;
	[tilespmem:s26+$0x10] =	vst v31  }
0xe8: {  	s29 =	sshll.u32 s21, $0x7;
	s28 =	sand.u32 $0x1FFFFC00, s20;
	s2 =	simm.s32 $0x40;
	v31 =	vadd.s32 v16, v25;
	v32 =	vld.idx.msk [tilespmem:v54+s4+$0x0], $0xffff  }
0xe9: {  	s30 =	sand.u32 $0x40, s2;
	s3 =	sor.u32 s29, s28;
	[tilespmem:s0+$0x16180] =	vst v28;
	v28 =	vadd.s32 v18, v26  }
0xea: {  	s3 =	sor.u32 s30, s3;
	v30 =	vld.idx.msk [tilespmem:v30+s4+$0x0], $0xffff;
	[tilespmem:s26+$0x30] =	vst v29  }
0xeb: {  	s3 =	sadd.s32 $0x10180, s3;
	v56 =	vadd.s32 v18, v27;
	v29 =	vld.idx.msk [tilespmem:v55+s4+$0x0], $0xffff  }
0xec: {  	v60 =	vld [tilespmem:s3+$0x200];
	v57 =	vadd.s32 v18, v24  }
0xed: {  	v31 =	vld.idx.msk [tilespmem:v31+s4+$0x0], $0xffff;
	[tilespmem:s26+$0x90] =	vst v32  }
0xee: {  	v58 =	vadd.s32 v17, v25;
	v28 =	vld.idx.msk [tilespmem:v28+s4+$0x0], $0xffff  }
0xef: {  	[tilespmem:s26+$0x80] =	vst v30;
	v30 =	vld [tilespmem:s3+$0x210]  }
0xf0: {  	v63 =	vadd.s32 v19, v26;
	v33 =	vld.idx.msk [tilespmem:v56+s4+$0x0], $0xffff;
	[tilespmem:s26+$0xB0] =	vst v29  }
0xf1: {  	v59 =	vadd.s32 v19, v27;
	v29 =	vld.idx.msk [tilespmem:v57+s4+$0x0], $0xffff  }
0xf2: {  	v62 =	vld [tilespmem:s3+$0x230];
	v61 =	vadd.s32 v19, v24;
	[tilespmem:s26+$0x20] =	vst v31  }
0xf3: {  	v32 =	vld.idx.msk [tilespmem:v58+s4+$0x0], $0xffff  }
0xf4: {  	v44 =	vld [tilespmem:s3+$0x220];
	v50 =	vadd.s32 v20, v26;
	v45 =	vadd.s32 v18, v25;
	v31 =	vshra.s32 v30, $0x1F;
	[tilespmem:s26+$0x110] =	vst v28  }
0xf5: {  	v47 =	vadd.s32 v20, v27;
	[tilespmem:s26+$0x100] =	vst v33;
	v30 =	vor.u32 v31, v30;
	v48 =	vld.idx.msk [tilespmem:v63+s4+$0x0], $0xffff  }
0xf6: {  	v46 =	vadd.s32 v20, v24;
	v34 =	vld.idx.msk [tilespmem:v59+s4+$0x0], $0xffff;
	[tilespmem:s26+$0x130] =	vst v29;
	vm12 =	vlt.s32 v30, $0x200;
	v29 =	vshra.s32 v60, $0x1F  }
0xf7: {  	v36 =	vld.idx.msk [tilespmem:v61+s4+$0x0], $0xffff;
	v30 =	vnsel vm12, $0x200, v30;
	v28 =	vor.u32 v29, v60;
	v29 =	vshra.s32 v62, $0x1F  }
0xf8: {  	v31 =	vshll.u32 v30, $0x3;
	vm13 =	vlt.s32 v28, $0x200;
	[tilespmem:s26+$0xA0] =	vst v32;
	v29 =	vor.u32 v29, v62  }
0xf9: {  	v49 =	vadd.s32 v16, v31;
	v28 =	vnsel vm13, $0x200, v28;
	v33 =	vld.idx.msk [tilespmem:v45+s4+$0x0], $0xffff;
	vm14 =	vlt.s32 v29, $0x200  }
0xfa: {  	v51 =	vadd.s32 v19, v25;
	v30 =	vshll.u32 v28, $0x3;
	v28 =	vnsel vm14, $0x200, v29;
	[tilespmem:s26+$0x190] =	vst v48  }
0xfb: {  	[tilespmem:s26+$0x180] =	vst v34;
	v28 =	vshll.u32 v28, $0x3;
	v53 =	vadd.s32 v16, v30;
	v37 =	vld.idx.msk [tilespmem:v50+s4+$0x0], $0xffff  }
0xfc: {  	v29 =	vshra.s32 v44, $0x1F;
	v52 =	vld.idx.msk [tilespmem:v47+s4+$0x0], $0xffff;
	[tilespmem:s26+$0x1B0] =	vst v36;
	v54 =	vadd.s32 v16, v28  }
0xfd: {  	v58 =	vadd.s32 v21, v26;
	v29 =	vor.u32 v29, v44;
	v55 =	vld.idx.msk [tilespmem:v46+s4+$0x0], $0xffff  }
0xfe: {  	v63 =	vadd.s32 v21, v27;
	vm15 =	vlt.s32 v29, $0x200;
	v32 =	vld.idx.msk [tilespmem:v49+s4+$0x0], $0xffff;
	[tilespmem:s26+$0x120] =	vst v33  }
0xff: {  	s31 =	sshll.u32 s21, $0xC;
	v57 =	vadd.s32 v17, v31;
	v29 =	vnsel vm15, $0x200, v29;
	v34 =	vld.idx.msk [tilespmem:v51+s4+$0x0], $0xffff  }
0x100: {  	s0 =	sadd.s32 s28, s31;
	v56 =	vadd.s32 v21, v24;
	v29 =	vshll.u32 v29, $0x3;
	v59 =	vld.idx.msk [tilespmem:v53+s4+$0x0], $0xffff  }
0x101: {  	s1 =	sor.u32 s30, s0;
	v60 =	vadd.s32 v16, v29;
	[tilespmem:s26+$0x210] =	vst v37;
	v36 =	vld.idx.msk [tilespmem:v54+s4+$0x0], $0xffff  }
0x102: {  	s0 =	sadd.s32 $0x16180, s1;
	v61 =	vadd.s32 v17, v30;
	[tilespmem:s26+$0x200] =	vst v52;
	v35 =	vld.idx.msk [tilespmem:v58+s4+$0x0], $0xffff  }
0x103: {  	v62 =	vadd.s32 v17, v28;
	v38 =	vld.idx.msk [tilespmem:v63+s4+$0x0], $0xffff;
	[tilespmem:s0+$0x10] =	vst v32  }
0x104: {  	v43 =	vadd.s32 v20, v25;
	[tilespmem:s26+$0x230] =	vst v55;
	v39 =	vld.idx.msk [tilespmem:v57+s4+$0x0], $0xffff  }
0x105: {  	v42 =	vadd.s32 v18, v31;
	v32 =	vld.idx.msk [tilespmem:v56+s4+$0x0], $0xffff;
	[tilespmem:s1+$0x16180] =	vst v59  }
0x106: {  	v41 =	vld.idx.msk [tilespmem:v60+s4+$0x0], $0xffff;
	[tilespmem:s0+$0x30] =	vst v36;
	v36 =	vadd.s32 v22, v26  }
0x107: {  	v44 =	vadd.s32 v17, v29;
	v37 =	vld.idx.msk [tilespmem:v61+s4+$0x0], $0xffff  }
0x108: {  	s7 =	simm.s32 $0x400;
	s5 =	simm.s32 $0x4;
	v40 =	vadd.s32 v18, v30;
	[tilespmem:s26+$0x1A0] =	vst v34;
	v34 =	vadd.s32 v18, v28;
	v33 =	vld.idx.msk [tilespmem:v62+s4+$0x0], $0xffff  }
.LBB2_7:
0x109: {  	s5 =	sadd.s32 $0x4, s5;
	s1 =	sshrl.u32 s7, $0x2;
	[tilespmem:s0+$0x90] =	vst v39;
	v39 =	vld.idx.msk [tilespmem:v43+s4+$0x0], $0xffff  }
0x10a: {  	v43 =	vadd.s32 v22, v27;
	s3 =	sshrl.u32 s5, $0x3;
	s1 =	sand.u32 $0x1FFFFC00, s1;
	p0 =	slt.u32 s5, $0x7C;
	v42 =	vld.idx.msk [tilespmem:v42+s4+$0x0], $0xffff;
	[tilespmem:s26+$0x290] =	vst v35  }
0x10b: {  	s3 =	sand.u32 $0x3, s3;
	[tilespmem:s0+$0x20] =	vst v41;
	v35 =	vld.idx.msk [tilespmem:v36+s4+$0x0], $0xffff  }
0x10c: {  	s2 =	sadd.s32 $0x40, s2;
	s6 =	sshll.u32 s3, $0x7;
	s3 =	sshll.u32 s3, $0xC;
	[tilespmem:s0+$0x80] =	vst v37;
	v36 =	vld.idx.msk [tilespmem:v44+s4+$0x0], $0xffff  }
0x10d: {  	s9 =	sand.u32 $0x40, s2;
	s6 =	sor.u32 s6, s1;
	s1 =	sadd.s32 s1, s3;
	v37 =	vld.idx.msk [tilespmem:v40+s4+$0x0], $0xffff;
	[tilespmem:s0+$0xB0] =	vst v33  }
0x10e: {  	s3 =	sor.u32 s9, s6;
	s10 =	sor.u32 s9, s1;
	v33 =	vld.idx.msk [tilespmem:v34+s4+$0x0], $0xffff;
	[tilespmem:s26+$0x280] =	vst v38  }
0x10f: {  	v34 =	vadd.s32 v19, v30;
	s1 =	sadd.s32 $0x10180, s3;
	v38 =	vld.idx.msk [tilespmem:v43+s4+$0x0], $0xffff;
	[tilespmem:s26+$0x220] =	vst v39  }
0x110: {  	v40 =	vadd.s32 v19, v31;
	v39 =	vld [tilespmem:s1+$0x210];
	[tilespmem:s0+$0x110] =	vst v42  }
0x111: {  	v41 =	vld [tilespmem:s1+$0x200];
	[tilespmem:s26+$0x310] =	vst v35;
	v35 =	vadd.s32 v21, v25  }
0x112: {  	v43 =	vadd.s32 v19, v28;
	v42 =	vld [tilespmem:s1+$0x220];
	[tilespmem:s26+$0x2B0] =	vst v32  }
0x113: {  	v44 =	vadd.s32 v22, v24;
	v32 =	vld [tilespmem:s1+$0x230];
	[tilespmem:s0+$0x100] =	vst v37;
	v37 =	vadd.s32 v23, v26;
	v26 =	vmov v31  }
0x114: {  	v45 =	vadd.s32 v23, v27;
	v46 =	vadd.s32 v22, v25;
	v31 =	vadd.s32 v18, v29;
	v34 =	vld.idx.msk [tilespmem:v34+s4+$0x0], $0xffff  }
0x115: {  	v48 =	vadd.s32 v20, v28;
	v27 =	vmov v30;
	v47 =	vadd.s32 v20, v26;
	v40 =	vld.idx.msk [tilespmem:v40+s4+$0x0], $0xffff;
	[tilespmem:s26+$0x300] =	vst v38  }
0x116: {  	v49 =	vadd.s32 v20, v27;
	v38 =	vshra.s32 v39, $0x1F;
	v30 =	vshra.s32 v41, $0x1F;
	[tilespmem:s0+$0x130] =	vst v33;
	v33 =	vld.idx.msk [tilespmem:v35+s4+$0x0], $0xffff  }
0x117: {  	v35 =	vor.u32 v38, v39;
	v30 =	vor.u32 v30, v41;
	v38 =	vshra.s32 v42, $0x1F;
	v39 =	vld.idx.msk [tilespmem:v43+s4+$0x0], $0xffff  }
0x118: {  	vm1 =	vlt.s32 v35, $0x200;
	vm0 =	vlt.s32 v30, $0x200;
	v41 =	vshra.s32 v32, $0x1F;
	[tilespmem:s0+$0xA0] =	vst v36;
	v36 =	vld.idx.msk [tilespmem:v37+s4+$0x0], $0xffff  }
0x119: {  	v35 =	vnsel vm1, $0x200, v35;
	v30 =	vnsel vm0, $0x200, v30;
	v32 =	vor.u32 v41, v32;
	v37 =	vld.idx.msk [tilespmem:v31+s4+$0x0], $0xffff  }
0x11a: {  	v31 =	vshll.u32 v35, $0x3;
	v30 =	vshll.u32 v30, $0x3;
	vm0 =	vlt.s32 v32, $0x200;
	[tilespmem:s0+$0x180] =	vst v34;
	v34 =	vld.idx.msk [tilespmem:v45+s4+$0x0], $0xffff  }
0x11b: {  	v38 =	vor.u32 v38, v42;
	v35 =	vadd.s32 v16, v31;
	v32 =	vnsel vm0, $0x200, v32;
	v41 =	vld.idx.msk [tilespmem:v49+s4+$0x0], $0xffff;
	[tilespmem:s0+$0x190] =	vst v40  }
0x11c: {  	vm0 =	vlt.s32 v38, $0x200;
	v40 =	vadd.s32 v19, v29;
	v32 =	vshll.u32 v32, $0x3;
	[tilespmem:s26+$0x2A0] =	vst v33;
	v33 =	vld.idx.msk [tilespmem:v44+s4+$0x0], $0xffff  }
0x11d: {  	v42 =	vadd.s32 v16, v30;
	v38 =	vnsel vm0, $0x200, v38;
	[tilespmem:s0+$0x1B0] =	vst v39;
	v39 =	vld.idx.msk [tilespmem:v46+s4+$0x0], $0xffff  }
0x11e: {  	v38 =	vshll.u32 v38, $0x3;
	v43 =	vadd.s32 v16, v32;
	v44 =	vld.idx.msk [tilespmem:v47+s4+$0x0], $0xffff;
	[tilespmem:s26+$0x390] =	vst v36;
	v36 =	vadd.s32 v23, v24  }
0x11f: {  	v24 =	vmov v28;
	v28 =	vmov v32;
	[tilespmem:s0+$0x120] =	vst v37;
	v37 =	vld.idx.msk [tilespmem:v48+s4+$0x0], $0xffff  }
0x120: {  	v32 =	vld.idx.msk [tilespmem:v35+s4+$0x0], $0xffff;
	[tilespmem:s26+$0x380] =	vst v34;
	v34 =	vadd.s32 v23, v25;
	v25 =	vmov v29;
	v29 =	vmov v38  }
0x121: {  	v38 =	vadd.s32 v21, v24;
	[tilespmem:s0+$0x200] =	vst v41;
	v35 =	vld.idx.msk [tilespmem:v40+s4+$0x0], $0xffff  }
0x122: {  	v41 =	vadd.s32 v17, v31;
	v40 =	vld.idx.msk [tilespmem:v42+s4+$0x0], $0xffff;
	[tilespmem:s26+$0x330] =	vst v33  }
0x123: {  	v33 =	vadd.s32 v21, v26;
	[tilespmem:s26+$0x320] =	vst v39;
	v45 =	vld.idx.msk [tilespmem:v36+s4+$0x0], $0xffff  }
0x124: {  	v36 =	vadd.s32 v16, v29;
	v46 =	vld.idx.msk [tilespmem:v43+s4+$0x0], $0xffff;
	[tilespmem:s0+$0x210] =	vst v44  }
0x125: {  	s1 =	sadd.s32 $0x16180, s10;
	v47 =	vadd.s32 v17, v28;
	v44 =	vadd.s32 v17, v30;
	[tilespmem:s0+$0x230] =	vst v37;
	v34 =	vld.idx.msk [tilespmem:v34+s4+$0x0], $0xffff  }
0x126: {  	[tilespmem:s1+$0x10] =	vst v32;
	v32 =	vld.idx.msk [tilespmem:v38+s4+$0x0], $0xffff  }
0x127: {  	v38 =	vadd.s32 v21, v27;
	v39 =	vld.idx.msk [tilespmem:v41+s4+$0x0], $0xffff;
	[tilespmem:s0+$0x1A0] =	vst v35  }
.Ltmp2:
0x128: {  	v43 =	vadd.s32 v20, v25;
	v35 =	vld.idx.msk [tilespmem:v33+s4+$0x0], $0xffff;
	(pc) =	sbr.rel @p0 .LBB2_7-.Ltmp2, $4  }
0x129: {  	v42 =	vadd.s32 v18, v31;
	[tilespmem:s10+$0x16180] =	vst v40;
	v41 =	vld.idx.msk [tilespmem:v36+s4+$0x0], $0xffff  }
0x12a: {  	v36 =	vadd.s32 v22, v26;
	v37 =	vld.idx.msk [tilespmem:v44+s4+$0x0], $0xffff;
	[tilespmem:s1+$0x30] =	vst v46  }
0x12b: {  	v44 =	vadd.s32 v17, v29;
	v33 =	vld.idx.msk [tilespmem:v47+s4+$0x0], $0xffff;
	[tilespmem:s26+$0x3A0] =	vst v34  }
0x12c: {  	s7 =	sadd.s32 $0x200, s7;
	v40 =	vadd.s32 v18, v30;
	v34 =	vadd.s32 v18, v28;
	v38 =	vld.idx.msk [tilespmem:v38+s4+$0x0], $0xffff;
	[tilespmem:s26+$0x3B0] =	vst v45;
	s26 =	smov.u32 s0;
	s0 =	smov.u32 s1  }
0x12d: {  	_ =	sdelay $0x2  }
0x12e: {  	[tilespmem:s0+$0x20] =	vst v41  }
0x12f: {  	[tilespmem:s0+$0x90] =	vst v39;
	v41 =	vld.idx.msk [tilespmem:v44+s4+$0x0], $0xffff  }
0x130: {  	v63 =	vadd.s32 v18, v29;
	[tilespmem:s26+$0x290] =	vst v35  }
0x131: {  	v46 =	vld.idx.msk [tilespmem:v43+s4+$0x0], $0xffff;
	[tilespmem:s26+$0x2B0] =	vst v32  }
0x132: {  	v52 =	vadd.s32 v22, v27;
	v47 =	vld.idx.msk [tilespmem:v42+s4+$0x0], $0xffff;
	[tilespmem:s0+$0x80] =	vst v37  }
0x133: {  	v48 =	vadd.s32 v19, v31;
	v37 =	vld.idx.msk [tilespmem:v40+s4+$0x0], $0xffff;
	[tilespmem:s0+$0xB0] =	vst v33  }
0x134: {  	v49 =	vadd.s32 v19, v30;
	v34 =	vld.idx.msk [tilespmem:v34+s4+$0x0], $0xffff;
	[tilespmem:s0+$0xA0] =	vst v41  }
0x135: {  	v51 =	vadd.s32 v19, v28;
	[tilespmem:s26+$0x280] =	vst v38;
	v41 =	vld.idx.msk [tilespmem:v63+s4+$0x0], $0xffff  }
0x136: {  	v50 =	vadd.s32 v19, v29;
	v36 =	vld.idx.msk [tilespmem:v36+s4+$0x0], $0xffff;
	[tilespmem:s26+$0x220] =	vst v46  }
0x137: {  	v53 =	vadd.s32 v21, v25;
	v60 =	vld.idx.msk [tilespmem:v52+s4+$0x0], $0xffff;
	[tilespmem:s0+$0x110] =	vst v47  }
0x138: {  	v26 =	vadd.s32 v23, v26;
	v54 =	vld.idx.msk [tilespmem:v48+s4+$0x0], $0xffff;
	[tilespmem:s0+$0x100] =	vst v37  }
0x139: {  	v55 =	vadd.s32 v20, v31;
	v33 =	vld.idx.msk [tilespmem:v49+s4+$0x0], $0xffff;
	[tilespmem:s0+$0x130] =	vst v34  }
0x13a: {  	v56 =	vadd.s32 v20, v30;
	v58 =	vld.idx.msk [tilespmem:v51+s4+$0x0], $0xffff;
	[tilespmem:s0+$0x120] =	vst v41  }
0x13b: {  	v61 =	vadd.s32 v20, v28;
	[tilespmem:s26+$0x310] =	vst v36;
	v57 =	vld.idx.msk [tilespmem:v50+s4+$0x0], $0xffff  }
0x13c: {  	v59 =	vadd.s32 v20, v29;
	v35 =	vld.idx.msk [tilespmem:v53+s4+$0x0], $0xffff;
	[tilespmem:s26+$0x300] =	vst v60  }
0x13d: {  	v27 =	vadd.s32 v23, v27;
	v26 =	vld.idx.msk [tilespmem:v26+s4+$0x0], $0xffff;
	[tilespmem:s0+$0x190] =	vst v54  }
0x13e: {  	v49 =	vadd.s32 v22, v25;
	v62 =	vld.idx.msk [tilespmem:v55+s4+$0x0], $0xffff;
	[tilespmem:s0+$0x180] =	vst v33  }
0x13f: {  	v44 =	vadd.s32 v21, v31;
	v63 =	vld.idx.msk [tilespmem:v56+s4+$0x0], $0xffff;
	[tilespmem:s0+$0x1B0] =	vst v58  }
0x140: {  	v45 =	vadd.s32 v21, v30;
	v32 =	vld.idx.msk [tilespmem:v61+s4+$0x0], $0xffff;
	[tilespmem:s0+$0x1A0] =	vst v57  }
0x141: {  	v48 =	vadd.s32 v21, v28;
	[tilespmem:s26+$0x2A0] =	vst v35;
	v46 =	vld.idx.msk [tilespmem:v59+s4+$0x0], $0xffff  }
0x142: {  	v47 =	vadd.s32 v21, v29;
	v27 =	vld.idx.msk [tilespmem:v27+s4+$0x0], $0xffff;
	[tilespmem:s26+$0x390] =	vst v26  }
0x143: {  	v50 =	vadd.s32 v22, v24;
	v55 =	vld.idx.msk [tilespmem:v49+s4+$0x0], $0xffff;
	[tilespmem:s0+$0x210] =	vst v62  }
0x144: {  	v25 =	vadd.s32 v23, v25;
	v51 =	vld.idx.msk [tilespmem:v44+s4+$0x0], $0xffff;
	[tilespmem:s0+$0x200] =	vst v63  }
0x145: {  	v52 =	vadd.s32 v22, v31;
	v34 =	vld.idx.msk [tilespmem:v45+s4+$0x0], $0xffff;
	[tilespmem:s0+$0x230] =	vst v32  }
0x146: {  	v53 =	vadd.s32 v22, v30;
	v26 =	vld.idx.msk [tilespmem:v48+s4+$0x0], $0xffff;
	[tilespmem:s0+$0x220] =	vst v46  }
0x147: {  	[tilespmem:s26+$0x380] =	vst v27;
	v27 =	vadd.s32 v22, v28;
	v36 =	vld.idx.msk [tilespmem:v47+s4+$0x0], $0xffff  }
0x148: {  	v54 =	vadd.s32 v22, v29;
	v33 =	vld.idx.msk [tilespmem:v50+s4+$0x0], $0xffff;
	[tilespmem:s26+$0x320] =	vst v55  }
0x149: {  	v25 =	vld.idx.msk [tilespmem:v25+s4+$0x0], $0xffff;
	[tilespmem:s0+$0x290] =	vst v51  }
0x14a: {  	v24 =	vadd.s32 v23, v24;
	v37 =	vld.idx.msk [tilespmem:v52+s4+$0x0], $0xffff;
	[tilespmem:s0+$0x280] =	vst v34  }
0x14b: {  	v31 =	vadd.s32 v23, v31;
	v32 =	vld.idx.msk [tilespmem:v53+s4+$0x0], $0xffff;
	[tilespmem:s0+$0x2B0] =	vst v26  }
0x14c: {  	v26 =	vadd.s32 v23, v30;
	v27 =	vld.idx.msk [tilespmem:v27+s4+$0x0], $0xffff;
	[tilespmem:s0+$0x2A0] =	vst v36  }
0x14d: {  	v28 =	vadd.s32 v23, v28;
	[tilespmem:s26+$0x330] =	vst v33;
	v30 =	vld.idx.msk [tilespmem:v54+s4+$0x0], $0xffff  }
0x14e: {  	v29 =	vadd.s32 v23, v29;
	[tilespmem:s26+$0x3A0] =	vst v25  }
0x14f: {  	v24 =	vld.idx.msk [tilespmem:v24+s4+$0x0], $0xffff;
	[tilespmem:s0+$0x310] =	vst v37  }
0x150: {  	v31 =	vld.idx.msk [tilespmem:v31+s4+$0x0], $0xffff;
	[tilespmem:s0+$0x300] =	vst v32  }
0x151: {  	v26 =	vld.idx.msk [tilespmem:v26+s4+$0x0], $0xffff;
	[tilespmem:s0+$0x330] =	vst v27  }
0x152: {  	v25 =	vld.idx.msk [tilespmem:v28+s4+$0x0], $0xffff;
	[tilespmem:s0+$0x320] =	vst v30  }
0x153: {  	v27 =	vld.idx.msk [tilespmem:v29+s4+$0x0], $0xffff  }
0x154: {  	[tilespmem:s26+$0x3B0] =	vst v24  }
0x155: {  	[tilespmem:s0+$0x390] =	vst v31  }
0x156: {  	[tilespmem:s0+$0x380] =	vst v26  }
0x157: {  	[tilespmem:s0+$0x3B0] =	vst v25  }
0x158: {  	s9 =	sadd.s32 s25, s8;
	s1 =	simm.s32 $0x16180;
	[tilespmem:s0+$0x3A0] =	vst v27  }
0x159: {  	[hbm4b:s9+s4] =	stream.linear.scatter [tilespmem:s1], [sflag:$0x4], $0x4000, $0x38;
	[tilespmem:$0x1A180] =	vst v63  }
0x15a: {  	_ =	swait.ge [sflag:s17], $0x1000  }
0x15b: {  	p0 =	seq.s32 s22, $0x3F;
	s0 =	rddreg [dreg:$0x7]  }
0x15c: {  	s10 =	simm.s32 $0x0;
	s0 =	sadd.s32 @!p0 s24, s0  }
0x15d: {  	s11 =	simm.s32 $0x0;
	s2 =	simm.s32 @!p0 $0x10180;
	s0 =	sshll.u32 @!p0 s0, $0x9  }
0x15e: {  	s12 =	sand.u32 $0x3, s10;
	[sflag:s17] =	ssyncset.done $0x0;
	s0 =	sand.u32 @!p0 $0x1FFFFC00, s0  }
0x15f: {  	s1 =	simm.s32 @!p0 $0x0;
	[sflag:s17] =	ssyncadd.s32 $0xFFFFF000;
	s0 =	sadd.s32 @!p0 s16, s0  }
0x160: {  	[tilespmem:s2], [sflag:$0x1] =	stream.linear.gather @!p0 [hbm4b:s0+s1], $0x1000, $0x38;
	[tilespmem:$0x1A180] =	vst v63  }
0x161: {  	s14 =	simm.s32 $0x0;
	s3 =	sshll.u32 s12, $0x7;
	s1 =	sand.u32 $0x1FFFFC00, s11  }
0x162: {  	s0 =	sand.u32 $0x40, s14;
	_ =	swait.ge [sflag:s18], $0x4000;
	s3 =	sor.u32 s3, s1  }
0x163: {  	s5 =	sor.u32 $0x10, s0;
	[sflag:s18] =	ssyncset.done $0x0;
	s3 =	sadd.s32 $0x11180, s3  }
0x164: {  	s9 =	sor.u32 $0x30, s0;
	[sflag:s18] =	ssyncadd.s32 $0xFFFFC000;
	s6 =	sor.u32 s5, s3  }
0x165: {  	s31 =	smov.u32 s16;
	s16 =	sor.u32 s9, s3;
	v24 =	vld [tilespmem:s6+$0x0]  }
0x166: {  	v25 =	vld [tilespmem:s16+$0x0]  }
0x167: {  	s10 =	sor.u32 $0x20, s0  }
0x168: {  	s20 =	sor.u32 s10, s3  }
0x169: {  	v26 =	vld [tilespmem:s20+$0x0]  }
0x16a: {  	v27 =	vshra.s32 v24, $0x1F  }
0x16b: {  	v24 =	vor.u32 v27, v24;
	v27 =	vshra.s32 v25, $0x1F  }
0x16c: {  	vm0 =	vlt.s32 v24, $0x200;
	v27 =	vor.u32 v27, v25  }
0x16d: {  	v24 =	vnsel vm0, $0x200, v24;
	vm9 =	vlt.s32 v27, $0x200  }
0x16e: {  	v28 =	vshra.s32 v26, $0x1F;
	v25 =	vshll.u32 v24, $0x3;
	v24 =	vnsel vm9, $0x200, v27  }
0x16f: {  	v26 =	vor.u32 v28, v26;
	v27 =	vadd.s32 v16, v25;
	v24 =	vshll.u32 v24, $0x3  }
0x170: {  	vm10 =	vlt.s32 v26, $0x200;
	v28 =	vadd.s32 v16, v24  }
0x171: {  	s3 =	sor.u32 s0, s3;
	v26 =	vnsel vm10, $0x200, v26  }
0x172: {  	v30 =	vld [tilespmem:s3+$0x0];
	v26 =	vshll.u32 v26, $0x3  }
0x173: {  	v29 =	vadd.s32 v16, v26  }
0x174: {  	s21 =	simm.s32 $0x0;
	s2 =	sshll.u32 s12, $0xC;
	v27 =	vld.idx.msk [tilespmem:v27+s4+$0x0], $0xffff  }
0x175: {  	s7 =	sand.u32 $0x3, s21;
	s1 =	sadd.s32 s1, s2;
	v31 =	vadd.s32 v17, v25;
	v28 =	vld.idx.msk [tilespmem:v28+s4+$0x0], $0xffff  }
0x176: {  	s25 =	sshll.u32 s7, $0x7;
	s24 =	simm.s32 $0x80;
	s14 =	sadd.s32 $0x12180, s1  }
0x177: {  	s2 =	simm.s32 $0x40;
	s26 =	sor.u32 s5, s14;
	s5 =	sand.u32 $0x1FFFFC00, s24;
	v57 =	vshra.s32 v30, $0x1F;
	v56 =	vadd.s32 v17, v24  }
0x178: {  	s11 =	sand.u32 $0x40, s2;
	s1 =	sor.u32 s25, s5;
	v30 =	vor.u32 v57, v30;
	v29 =	vld.idx.msk [tilespmem:v29+s4+$0x0], $0xffff  }
0x179: {  	s24 =	sor.u32 s9, s14;
	s9 =	sor.u32 $0x10, s11;
	s30 =	sadd.s32 $0x11180, s1;
	vm11 =	vlt.s32 v30, $0x200;
	[tilespmem:s26+$0x0] =	vst v27  }
0x17a: {  	s25 =	sor.u32 s10, s14;
	s10 =	sor.u32 s9, s30;
	v58 =	vadd.s32 v17, v26;
	v27 =	vnsel vm11, $0x200, v30;
	[tilespmem:s24+$0x0] =	vst v28;
	v28 =	vld.idx.msk [tilespmem:v31+s4+$0x0], $0xffff  }
0x17b: {  	v61 =	vld [tilespmem:s10+$0x0];
	v30 =	vadd.s32 v18, v25;
	v27 =	vshll.u32 v27, $0x3  }
0x17c: {  	s12 =	sor.u32 $0x30, s11;
	s1 =	sor.u32 s11, s30;
	v31 =	vld.idx.msk [tilespmem:v56+s4+$0x0], $0xffff;
	v60 =	vadd.s32 v16, v27  }
0x17d: {  	s16 =	sor.u32 s12, s30;
	v59 =	vadd.s32 v18, v24;
	[tilespmem:s25+$0x0] =	vst v29;
	v29 =	vld [tilespmem:s1+$0x0]  }
0x17e: {  	v62 =	vld [tilespmem:s16+$0x0]  }
0x17f: {  	v34 =	vld.idx.msk [tilespmem:v58+s4+$0x0], $0xffff;
	[tilespmem:s26+$0x80] =	vst v28  }
0x180: {  	v28 =	vadd.s32 v18, v26;
	v30 =	vld.idx.msk [tilespmem:v30+s4+$0x0], $0xffff  }
0x181: {  	[tilespmem:s24+$0x80] =	vst v31;
	v33 =	vld.idx.msk [tilespmem:v60+s4+$0x0], $0xffff  }
0x182: {  	s20 =	sor.u32 $0x20, s11;
	v63 =	vadd.s32 v19, v25;
	v43 =	vshra.s32 v29, $0x1F;
	v31 =	vld.idx.msk [tilespmem:v59+s4+$0x0], $0xffff  }
0x183: {  	s3 =	sor.u32 s20, s30;
	v45 =	vadd.s32 v17, v27;
	v29 =	vor.u32 v43, v29  }
0x184: {  	v46 =	vld [tilespmem:s3+$0x0];
	v47 =	vshra.s32 v61, $0x1F;
	[tilespmem:s25+$0x80] =	vst v34;
	vm12 =	vlt.s32 v29, $0x200  }
0x185: {  	s28 =	sor.u32 s0, s14;
	v44 =	vadd.s32 v19, v24;
	v34 =	vld.idx.msk [tilespmem:v28+s4+$0x0], $0xffff;
	v28 =	vnsel vm12, $0x200, v29;
	v29 =	vshra.s32 v62, $0x1F;
	[tilespmem:s26+$0x100] =	vst v30  }
0x186: {  	v48 =	vadd.s32 v19, v26;
	v28 =	vshll.u32 v28, $0x3;
	v29 =	vor.u32 v29, v62;
	[tilespmem:s28+$0x0] =	vst v33  }
0x187: {  	v30 =	vor.u32 v47, v61;
	v32 =	vld.idx.msk [tilespmem:v63+s4+$0x0], $0xffff;
	[tilespmem:s24+$0x100] =	vst v31;
	v31 =	vadd.s32 v16, v28;
	vm13 =	vlt.s32 v29, $0x200  }
0x188: {  	v49 =	vadd.s32 v20, v25;
	vm14 =	vlt.s32 v30, $0x200;
	v37 =	vld.idx.msk [tilespmem:v45+s4+$0x0], $0xffff;
	v29 =	vnsel vm13, $0x200, v29  }
0x189: {  	v57 =	vadd.s32 v18, v27;
	v30 =	vnsel vm14, $0x200, v30;
	v29 =	vshll.u32 v29, $0x3  }
0x18a: {  	v52 =	vshra.s32 v46, $0x1F;
	v50 =	vld.idx.msk [tilespmem:v44+s4+$0x0], $0xffff;
	v30 =	vshll.u32 v30, $0x3;
	[tilespmem:s25+$0x100] =	vst v34;
	v53 =	vadd.s32 v16, v29  }
0x18b: {  	v38 =	vor.u32 v52, v46;
	v54 =	vadd.s32 v16, v30;
	v55 =	vld.idx.msk [tilespmem:v48+s4+$0x0], $0xffff  }
0x18c: {  	vm15 =	vlt.s32 v38, $0x200;
	v51 =	vadd.s32 v20, v24;
	[tilespmem:s26+$0x180] =	vst v32;
	v56 =	vld.idx.msk [tilespmem:v31+s4+$0x0], $0xffff  }
0x18d: {  	s21 =	sshll.u32 s7, $0xC;
	v58 =	vadd.s32 v17, v28;
	v31 =	vnsel vm15, $0x200, v38;
	[tilespmem:s28+$0x80] =	vst v37;
	v35 =	vld.idx.msk [tilespmem:v49+s4+$0x0], $0xffff  }
0x18e: {  	s0 =	sadd.s32 s5, s21;
	v60 =	vadd.s32 v21, v25;
	v31 =	vshll.u32 v31, $0x3;
	v41 =	vld.idx.msk [tilespmem:v57+s4+$0x0], $0xffff  }
0x18f: {  	s30 =	sadd.s32 $0x12180, s0;
	v62 =	vadd.s32 v16, v31;
	v61 =	vld.idx.msk [tilespmem:v53+s4+$0x0], $0xffff  }
0x190: {  	s29 =	sor.u32 s11, s30;
	v63 =	vadd.s32 v17, v29;
	[tilespmem:s24+$0x180] =	vst v50;
	v40 =	vld.idx.msk [tilespmem:v54+s4+$0x0], $0xffff  }
0x191: {  	v45 =	vadd.s32 v17, v30;
	v59 =	vld.idx.msk [tilespmem:v51+s4+$0x0], $0xffff;
	[tilespmem:s29+$0x0] =	vst v56  }
0x192: {  	v47 =	vadd.s32 v19, v27;
	[tilespmem:s26+$0x200] =	vst v35;
	v34 =	vld.idx.msk [tilespmem:v58+s4+$0x0], $0xffff  }
0x193: {  	s0 =	sor.u32 s12, s30;
	v46 =	vadd.s32 v20, v26;
	v37 =	vld.idx.msk [tilespmem:v60+s4+$0x0], $0xffff  }
0x194: {  	s5 =	sor.u32 s9, s30;
	v44 =	vadd.s32 v21, v24;
	v38 =	vld.idx.msk [tilespmem:v62+s4+$0x0], $0xffff;
	[tilespmem:s0+$0x0] =	vst v61  }
0x195: {  	v43 =	vadd.s32 v22, v25;
	[tilespmem:s5+$0x0] =	vst v40;
	v36 =	vld.idx.msk [tilespmem:v63+s4+$0x0], $0xffff  }
0x196: {  	[tilespmem:s28+$0x100] =	vst v41;
	v39 =	vld.idx.msk [tilespmem:v45+s4+$0x0], $0xffff;
	v45 =	vadd.s32 v17, v31  }
0x197: {  	v42 =	vadd.s32 v18, v29;
	v32 =	vadd.s32 v21, v26;
	[tilespmem:s25+$0x180] =	vst v55;
	v41 =	vld.idx.msk [tilespmem:v47+s4+$0x0], $0xffff  }
0x198: {  	s7 =	simm.s32 $0x4;
	s12 =	sor.u32 s20, s30;
	s10 =	simm.s32 $0x400;
	v33 =	vadd.s32 v21, v31;
	v35 =	vadd.s32 v18, v30;
	[tilespmem:s24+$0x200] =	vst v59;
	v40 =	vld.idx.msk [tilespmem:v46+s4+$0x0], $0xffff  }
.LBB2_9:
0x199: {  	s7 =	sadd.s32 $0x4, s7;
	s1 =	sshrl.u32 s10, $0x2;
	[tilespmem:s26+$0x280] =	vst v37;
	v37 =	vld.idx.msk [tilespmem:v44+s4+$0x0], $0xffff  }
0x19a: {  	s3 =	sshrl.u32 s7, $0x3;
	s1 =	sand.u32 $0x1FFFFC00, s1;
	p0 =	slt.u32 s7, $0x7C;
	[tilespmem:s12+$0x0] =	vst v38;
	v38 =	vadd.s32 v20, v27;
	v43 =	vld.idx.msk [tilespmem:v43+s4+$0x0], $0xffff  }
0x19b: {  	s3 =	sand.u32 $0x3, s3;
	v44 =	vld.idx.msk [tilespmem:v45+s4+$0x0], $0xffff;
	[tilespmem:s0+$0x80] =	vst v36  }
0x19c: {  	s6 =	sshll.u32 s3, $0x7;
	s3 =	sshll.u32 s3, $0xC;
	[tilespmem:s5+$0x80] =	vst v39;
	v36 =	vld.idx.msk [tilespmem:v42+s4+$0x0], $0xffff  }
0x19d: {  	s2 =	sadd.s32 $0x40, s2;
	s6 =	sor.u32 s6, s1;
	s1 =	sadd.s32 s1, s3;
	v35 =	vld.idx.msk [tilespmem:v35+s4+$0x0], $0xffff;
	[tilespmem:s25+$0x200] =	vst v40  }
0x19e: {  	s14 =	sand.u32 $0x40, s2;
	s3 =	sadd.s32 $0x11180, s6;
	s11 =	sadd.s32 $0x12180, s1;
	[tilespmem:s28+$0x180] =	vst v41;
	v39 =	vld.idx.msk [tilespmem:v32+s4+$0x0], $0xffff;
	v32 =	vmov v33  }
0x19f: {  	s20 =	sor.u32 $0x10, s14;
	s6 =	sor.u32 $0x20, s14;
	v33 =	vadd.s32 v18, v31;
	s1 =	sor.u32 s14, s3;
	v38 =	vld.idx.msk [tilespmem:v38+s4+$0x0], $0xffff;
	[tilespmem:s24+$0x280] =	vst v37  }
0x1a0: {  	v40 =	vadd.s32 v19, v30;
	s9 =	sor.u32 s20, s3;
	s30 =	sor.u32 s6, s3;
	v37 =	vld [tilespmem:s1+$0x0];
	s1 =	sor.u32 s6, s11;
	[tilespmem:s26+$0x300] =	vst v43  }
0x1a1: {  	s21 =	sor.u32 $0x30, s14;
	v42 =	vadd.s32 v21, v27;
	v41 =	vld [tilespmem:s9+$0x0]  }
0x1a2: {  	s3 =	sor.u32 s21, s3;
	v43 =	vld [tilespmem:s30+$0x0];
	[tilespmem:s12+$0x80] =	vst v44;
	v44 =	vadd.s32 v22, v26  }
0x1a3: {  	v46 =	vadd.s32 v22, v27;
	v47 =	vadd.s32 v23, v26;
	v45 =	vld [tilespmem:s3+$0x0];
	[tilespmem:s5+$0x100] =	vst v35;
	v35 =	vadd.s32 v19, v29  }
0x1a4: {  	v48 =	vadd.s32 v23, v25;
	v25 =	vmov v30;
	v33 =	vld.idx.msk [tilespmem:v33+s4+$0x0], $0xffff;
	[tilespmem:s25+$0x280] =	vst v39;
	v39 =	vadd.s32 v22, v24  }
0x1a5: {  	v50 =	vadd.s32 v20, v29;
	v49 =	vadd.s32 v20, v25;
	v51 =	vshra.s32 v37, $0x1F;
	v40 =	vld.idx.msk [tilespmem:v40+s4+$0x0], $0xffff;
	[tilespmem:s28+$0x200] =	vst v38  }
0x1a6: {  	v26 =	vmovc v31;
	v38 =	vadd.s32 v19, v31;
	v30 =	vor.u32 v51, v37;
	v37 =	vshra.s32 v41, $0x1F;
	v42 =	vld.idx.msk [tilespmem:v42+s4+$0x0], $0xffff  }
0x1a7: {  	vm0 =	vlt.s32 v30, $0x200;
	v31 =	vor.u32 v37, v41;
	v37 =	vshra.s32 v43, $0x1F;
	[tilespmem:s0+$0x100] =	vst v36;
	v36 =	vld.idx.msk [tilespmem:v44+s4+$0x0], $0xffff  }
0x1a8: {  	v30 =	vnsel vm0, $0x200, v30;
	vm0 =	vlt.s32 v31, $0x200;
	v41 =	vshra.s32 v45, $0x1F;
	v35 =	vld.idx.msk [tilespmem:v35+s4+$0x0], $0xffff  }
0x1a9: {  	v44 =	vshll.u32 v30, $0x3;
	v30 =	vnsel vm0, $0x200, v31;
	v31 =	vor.u32 v41, v45;
	[tilespmem:s29+$0x80] =	vst v34;
	v34 =	vld.idx.msk [tilespmem:v39+s4+$0x0], $0xffff  }
0x1aa: {  	v39 =	vadd.s32 v16, v44;
	v30 =	vshll.u32 v30, $0x3;
	vm0 =	vlt.s32 v31, $0x200;
	[tilespmem:s12+$0x100] =	vst v33;
	v41 =	vld.idx.msk [tilespmem:v48+s4+$0x0], $0xffff  }
0x1ab: {  	v33 =	vor.u32 v37, v43;
	v45 =	vadd.s32 v16, v30;
	v31 =	vnsel vm0, $0x200, v31;
	[tilespmem:s5+$0x180] =	vst v40;
	v37 =	vld.idx.msk [tilespmem:v38+s4+$0x0], $0xffff  }
0x1ac: {  	vm0 =	vlt.s32 v33, $0x200;
	v38 =	vshll.u32 v31, $0x3;
	v40 =	vld.idx.msk [tilespmem:v49+s4+$0x0], $0xffff;
	[tilespmem:s28+$0x280] =	vst v42  }
0x1ad: {  	v31 =	vnsel vm0, $0x200, v33;
	v42 =	vadd.s32 v16, v38;
	v43 =	vld.idx.msk [tilespmem:v46+s4+$0x0], $0xffff;
	[tilespmem:s25+$0x300] =	vst v36  }
0x1ae: {  	v31 =	vshll.u32 v31, $0x3;
	v36 =	vadd.s32 v23, v24;
	v24 =	vmovc v29;
	v29 =	vmov v38;
	[tilespmem:s0+$0x180] =	vst v35;
	v35 =	vld.idx.msk [tilespmem:v47+s4+$0x0], $0xffff  }
0x1af: {  	v33 =	vadd.s32 v21, v31;
	v38 =	vld.idx.msk [tilespmem:v39+s4+$0x0], $0xffff;
	v39 =	vadd.s32 v23, v27;
	[tilespmem:s24+$0x300] =	vst v34;
	v27 =	vmov v28  }
0x1b0: {  	v28 =	vmov v44;
	v34 =	vadd.s32 v18, v27;
	v46 =	vld.idx.msk [tilespmem:v50+s4+$0x0], $0xffff;
	[tilespmem:s26+$0x380] =	vst v41;
	s26 =	smov.u32 s5  }
0x1b1: {  	v41 =	vadd.s32 v17, v28;
	v44 =	vld.idx.msk [tilespmem:v45+s4+$0x0], $0xffff;
	[tilespmem:s12+$0x180] =	vst v37  }
0x1b2: {  	v45 =	vadd.s32 v17, v30;
	v37 =	vadd.s32 v21, v25;
	v42 =	vld.idx.msk [tilespmem:v42+s4+$0x0], $0xffff;
	[tilespmem:s26+$0x200] =	vst v40  }
0x1b3: {  	v40 =	vadd.s32 v16, v31;
	[tilespmem:s28+$0x300] =	vst v43;
	v47 =	vld.idx.msk [tilespmem:v36+s4+$0x0], $0xffff  }
0x1b4: {  	s3 =	sor.u32 s14, s11;
	v36 =	vadd.s32 v17, v29;
	v48 =	vld.idx.msk [tilespmem:v39+s4+$0x0], $0xffff;
	[tilespmem:s25+$0x380] =	vst v35;
	s25 =	smov.u32 s12;
	s12 =	smov.u32 s1  }
0x1b5: {  	[tilespmem:s3+$0x0] =	vst v38;
	v49 =	vld.idx.msk [tilespmem:v34+s4+$0x0], $0xffff  }
0x1b6: {  	s5 =	sor.u32 s20, s11;
	v34 =	vld.idx.msk [tilespmem:v41+s4+$0x0], $0xffff;
	v41 =	vadd.s32 v20, v26;
	[tilespmem:s0+$0x200] =	vst v46  }
0x1b7: {  	s1 =	sor.u32 s21, s11;
	v46 =	vadd.s32 v19, v27;
	[tilespmem:s5+$0x0] =	vst v44;
	v37 =	vld.idx.msk [tilespmem:v37+s4+$0x0], $0xffff  }
.Ltmp3:
0x1b8: {  	v44 =	vadd.s32 v21, v24;
	v38 =	vld.idx.msk [tilespmem:v40+s4+$0x0], $0xffff;
	[tilespmem:s1+$0x0] =	vst v42;
	(pc) =	sbr.rel @p0 .LBB2_9-.Ltmp3, $4  }
0x1b9: {  	v43 =	vadd.s32 v22, v25;
	v35 =	vadd.s32 v18, v30;
	v36 =	vld.idx.msk [tilespmem:v36+s4+$0x0], $0xffff;
	[tilespmem:s24+$0x380] =	vst v47;
	s24 =	smov.u32 s0;
	s0 =	smov.u32 s1  }
0x1ba: {  	v39 =	vld.idx.msk [tilespmem:v45+s4+$0x0], $0xffff;
	v45 =	vadd.s32 v17, v31;
	[tilespmem:s28+$0x380] =	vst v48;
	s28 =	smov.u32 s29;
	s29 =	smov.u32 s3  }
0x1bb: {  	v42 =	vadd.s32 v18, v29;
	[tilespmem:s28+$0x100] =	vst v49;
	v40 =	vld.idx.msk [tilespmem:v41+s4+$0x0], $0xffff  }
0x1bc: {  	s10 =	sadd.s32 $0x200, s10;
	v41 =	vld.idx.msk [tilespmem:v46+s4+$0x0], $0xffff  }
0x1bd: {  	_ =	sdelay $0x1  }
0x1be: {  	[tilespmem:s12+$0x0] =	vst v38  }
0x1bf: {  	[tilespmem:s26+$0x280] =	vst v37  }
0x1c0: {  	v61 =	vld.idx.msk [tilespmem:v44+s4+$0x0], $0xffff;
	[tilespmem:s29+$0x80] =	vst v34  }
0x1c1: {  	v62 =	vadd.s32 v18, v28;
	v38 =	vld.idx.msk [tilespmem:v45+s4+$0x0], $0xffff;
	[tilespmem:s0+$0x80] =	vst v36  }
0x1c2: {  	v60 =	vadd.s32 v18, v31;
	v43 =	vld.idx.msk [tilespmem:v43+s4+$0x0], $0xffff;
	[tilespmem:s5+$0x80] =	vst v39  }
0x1c3: {  	v63 =	vadd.s32 v20, v27;
	v46 =	vld.idx.msk [tilespmem:v42+s4+$0x0], $0xffff;
	[tilespmem:s25+$0x200] =	vst v40  }
0x1c4: {  	v25 =	vadd.s32 v23, v25;
	v35 =	vld.idx.msk [tilespmem:v35+s4+$0x0], $0xffff;
	[tilespmem:s28+$0x180] =	vst v41  }
0x1c5: {  	v45 =	vadd.s32 v19, v30;
	v32 =	vld.idx.msk [tilespmem:v32+s4+$0x0], $0xffff;
	[tilespmem:s24+$0x280] =	vst v61  }
0x1c6: {  	v48 =	vadd.s32 v19, v29;
	v49 =	vld.idx.msk [tilespmem:v62+s4+$0x0], $0xffff;
	[tilespmem:s12+$0x80] =	vst v38  }
0x1c7: {  	v51 =	vadd.s32 v19, v28;
	[tilespmem:s26+$0x300] =	vst v43;
	v37 =	vld.idx.msk [tilespmem:v60+s4+$0x0], $0xffff  }
0x1c8: {  	v47 =	vadd.s32 v19, v31;
	v50 =	vld.idx.msk [tilespmem:v63+s4+$0x0], $0xffff;
	[tilespmem:s0+$0x100] =	vst v46  }
0x1c9: {  	v53 =	vadd.s32 v22, v26;
	v25 =	vld.idx.msk [tilespmem:v25+s4+$0x0], $0xffff;
	[tilespmem:s5+$0x100] =	vst v35  }
0x1ca: {  	v61 =	vadd.s32 v22, v24;
	v38 =	vld.idx.msk [tilespmem:v45+s4+$0x0], $0xffff;
	[tilespmem:s25+$0x280] =	vst v32  }
0x1cb: {  	v54 =	vadd.s32 v20, v30;
	v34 =	vld.idx.msk [tilespmem:v48+s4+$0x0], $0xffff;
	[tilespmem:s29+$0x100] =	vst v49  }
0x1cc: {  	v57 =	vadd.s32 v20, v29;
	v58 =	vld.idx.msk [tilespmem:v51+s4+$0x0], $0xffff;
	[tilespmem:s12+$0x100] =	vst v37  }
0x1cd: {  	v60 =	vadd.s32 v20, v28;
	[tilespmem:s28+$0x200] =	vst v50;
	v55 =	vld.idx.msk [tilespmem:v47+s4+$0x0], $0xffff  }
0x1ce: {  	v56 =	vadd.s32 v20, v31;
	v35 =	vld.idx.msk [tilespmem:v53+s4+$0x0], $0xffff;
	[tilespmem:s26+$0x380] =	vst v25  }
0x1cf: {  	v52 =	vadd.s32 v21, v27;
	v45 =	vld.idx.msk [tilespmem:v61+s4+$0x0], $0xffff;
	[tilespmem:s5+$0x180] =	vst v38  }
0x1d0: {  	v26 =	vadd.s32 v23, v26;
	[tilespmem:s0+$0x180] =	vst v34;
	v37 =	vld.idx.msk [tilespmem:v54+s4+$0x0], $0xffff  }
0x1d1: {  	v62 =	vadd.s32 v21, v30;
	v36 =	vld.idx.msk [tilespmem:v57+s4+$0x0], $0xffff;
	[tilespmem:s29+$0x180] =	vst v58  }
0x1d2: {  	v44 =	vadd.s32 v21, v29;
	v39 =	vld.idx.msk [tilespmem:v60+s4+$0x0], $0xffff;
	[tilespmem:s12+$0x180] =	vst v55  }
0x1d3: {  	v46 =	vadd.s32 v21, v28;
	[tilespmem:s25+$0x300] =	vst v35;
	v63 =	vld.idx.msk [tilespmem:v56+s4+$0x0], $0xffff  }
0x1d4: {  	v59 =	vld.idx.msk [tilespmem:v52+s4+$0x0], $0xffff;
	[tilespmem:s24+$0x300] =	vst v45  }
0x1d5: {  	v24 =	vadd.s32 v23, v24;
	v26 =	vld.idx.msk [tilespmem:v26+s4+$0x0], $0xffff;
	[tilespmem:s5+$0x200] =	vst v37  }
0x1d6: {  	v47 =	vadd.s32 v22, v27;
	[tilespmem:s0+$0x200] =	vst v36;
	v34 =	vld.idx.msk [tilespmem:v62+s4+$0x0], $0xffff  }
0x1d7: {  	v48 =	vadd.s32 v22, v30;
	v32 =	vld.idx.msk [tilespmem:v44+s4+$0x0], $0xffff;
	[tilespmem:s29+$0x200] =	vst v39  }
0x1d8: {  	v50 =	vadd.s32 v22, v29;
	v35 =	vld.idx.msk [tilespmem:v46+s4+$0x0], $0xffff;
	[tilespmem:s12+$0x200] =	vst v63  }
0x1d9: {  	v25 =	vadd.s32 v22, v28;
	[tilespmem:s28+$0x280] =	vst v59;
	v33 =	vld.idx.msk [tilespmem:v33+s4+$0x0], $0xffff  }
0x1da: {  	v49 =	vadd.s32 v22, v31;
	v24 =	vld.idx.msk [tilespmem:v24+s4+$0x0], $0xffff;
	[tilespmem:s25+$0x380] =	vst v26  }
0x1db: {  	v51 =	vld.idx.msk [tilespmem:v47+s4+$0x0], $0xffff;
	[tilespmem:s5+$0x280] =	vst v34  }
0x1dc: {  	v27 =	vadd.s32 v23, v27;
	[tilespmem:s0+$0x280] =	vst v32;
	v34 =	vld.idx.msk [tilespmem:v48+s4+$0x0], $0xffff  }
0x1dd: {  	v30 =	vadd.s32 v23, v30;
	v53 =	vld.idx.msk [tilespmem:v50+s4+$0x0], $0xffff;
	[tilespmem:s29+$0x280] =	vst v35  }
0x1de: {  	v29 =	vadd.s32 v23, v29;
	v25 =	vld.idx.msk [tilespmem:v25+s4+$0x0], $0xffff;
	[tilespmem:s12+$0x280] =	vst v33  }
0x1df: {  	v26 =	vadd.s32 v23, v28;
	[tilespmem:s24+$0x380] =	vst v24;
	v52 =	vld.idx.msk [tilespmem:v49+s4+$0x0], $0xffff  }
0x1e0: {  	v31 =	vadd.s32 v23, v31;
	[tilespmem:s28+$0x300] =	vst v51  }
0x1e1: {  	v27 =	vld.idx.msk [tilespmem:v27+s4+$0x0], $0xffff;
	[tilespmem:s5+$0x300] =	vst v34  }
0x1e2: {  	[tilespmem:s0+$0x300] =	vst v53;
	v28 =	vld.idx.msk [tilespmem:v30+s4+$0x0], $0xffff  }
0x1e3: {  	[tilespmem:s29+$0x300] =	vst v25;
	v25 =	vld.idx.msk [tilespmem:v29+s4+$0x0], $0xffff  }
0x1e4: {  	v24 =	vld.idx.msk [tilespmem:v26+s4+$0x0], $0xffff;
	[tilespmem:s12+$0x300] =	vst v52  }
0x1e5: {  	v30 =	vld.idx.msk [tilespmem:v31+s4+$0x0], $0xffff  }
0x1e6: {  	[tilespmem:s28+$0x380] =	vst v27  }
0x1e7: {  	[tilespmem:s5+$0x380] =	vst v28  }
0x1e8: {  	[tilespmem:s0+$0x380] =	vst v25  }
0x1e9: {  	s23 =	sshll.u32 s23, $0xC;
	s14 =	rddreg [dreg:$0x2];
	[tilespmem:s29+$0x380] =	vst v24  }
0x1ea: {  	s1 =	simm.s32 $0x0;
	s16 =	simm.s32 $0x0;
	s0 =	sadd.s32 s14, s23;
	[tilespmem:s12+$0x380] =	vst v30  }
0x1eb: {  	[hbm4b:s0+s1] =	stream.linear.scatter [tilespmem:s15], [sflag:$0x3], $0x4000, $0x38;
	[tilespmem:$0x1A180] =	vst v63  }
0x1ec: {  	s2 =	simm.s32 $0x0;
	s0 =	sand.u32 $0x3, s16  }
0x1ed: {  	s2 =	sand.u32 $0x1FFFFC00, s2;
	s3 =	sshll.u32 s0, $0x7  }
0x1ee: {  	s1 =	sand.u32 $0x40, s1;
	_ =	swait.ge [sflag:s19], $0x4000;
	s3 =	sor.u32 s3, s2  }
0x1ef: {  	[sflag:s19] =	ssyncset.done $0x0;
	s3 =	sor.u32 s1, s3  }
0x1f0: {  	[sflag:s19] =	ssyncadd.s32 $0xFFFFC000;
	s3 =	sadd.s32 $0x11180, s3  }
0x1f1: {  	v24 =	vld [tilespmem:s3+$0x210];
	_ =	sdelay $0x1  }
0x1f2: {  	v25 =	vld [tilespmem:s3+$0x200]  }
0x1f3: {  	v26 =	vld [tilespmem:s3+$0x230];
	_ =	sdelay $0x1  }
0x1f4: {  	v27 =	vshra.s32 v24, $0x1F  }
0x1f5: {  	v24 =	vor.u32 v27, v24  }
0x1f6: {  	v27 =	vshra.s32 v25, $0x1F;
	vm0 =	vlt.s32 v24, $0x200  }
0x1f7: {  	v25 =	vor.u32 v27, v25;
	v27 =	vshra.s32 v26, $0x1F;
	v24 =	vnsel vm0, $0x200, v24  }
0x1f8: {  	vm9 =	vlt.s32 v25, $0x200;
	v28 =	vor.u32 v27, v26;
	v26 =	vshll.u32 v24, $0x3  }
0x1f9: {  	v24 =	vnsel vm9, $0x200, v25;
	vm10 =	vlt.s32 v28, $0x200;
	v25 =	vadd.s32 v16, v26  }
0x1fa: {  	v29 =	vld [tilespmem:s3+$0x220];
	v27 =	vshll.u32 v24, $0x3;
	v24 =	vnsel vm10, $0x200, v28  }
0x1fb: {  	v24 =	vshll.u32 v24, $0x3;
	v28 =	vadd.s32 v16, v27  }
0x1fc: {  	v30 =	vadd.s32 v16, v24;
	_ =	sdelay $0x1  }
0x1fd: {  	v31 =	vld.idx.msk [tilespmem:v25+s4+$0x0], $0xffff  }
0x1fe: {  	s0 =	sshll.u32 s0, $0xC;
	v54 =	vadd.s32 v17, v26;
	v25 =	vshra.s32 v29, $0x1F  }
0x1ff: {  	s0 =	sadd.s32 s2, s0;
	v25 =	vor.u32 v25, v29;
	v28 =	vld.idx.msk [tilespmem:v28+s4+$0x0], $0xffff  }
0x200: {  	s0 =	sor.u32 s1, s0;
	vm11 =	vlt.s32 v25, $0x200;
	v29 =	vld.idx.msk [tilespmem:v30+s4+$0x0], $0xffff;
	v30 =	vadd.s32 v17, v27  }
0x201: {  	s20 =	simm.s32 $0x0;
	s24 =	sadd.s32 $0x16180, s0;
	v55 =	vadd.s32 v17, v24;
	v25 =	vnsel vm11, $0x200, v25  }
0x202: {  	s21 =	simm.s32 $0x80;
	s25 =	sand.u32 $0x3, s20;
	v25 =	vshll.u32 v25, $0x3;
	[tilespmem:s24+$0x10] =	vst v31  }
0x203: {  	s26 =	sand.u32 $0x1FFFFC00, s21;
	s28 =	sshll.u32 s25, $0x7;
	s2 =	simm.s32 $0x40;
	v31 =	vadd.s32 v16, v25;
	v32 =	vld.idx.msk [tilespmem:v54+s4+$0x0], $0xffff  }
0x204: {  	s29 =	sand.u32 $0x40, s2;
	s3 =	sor.u32 s28, s26;
	[tilespmem:s0+$0x16180] =	vst v28;
	v28 =	vadd.s32 v18, v26  }
0x205: {  	s3 =	sor.u32 s29, s3;
	v30 =	vld.idx.msk [tilespmem:v30+s4+$0x0], $0xffff;
	[tilespmem:s24+$0x30] =	vst v29  }
0x206: {  	s3 =	sadd.s32 $0x11180, s3;
	v56 =	vadd.s32 v18, v27;
	v29 =	vld.idx.msk [tilespmem:v55+s4+$0x0], $0xffff  }
0x207: {  	v60 =	vld [tilespmem:s3+$0x200];
	v57 =	vadd.s32 v18, v24  }
0x208: {  	v31 =	vld.idx.msk [tilespmem:v31+s4+$0x0], $0xffff;
	[tilespmem:s24+$0x90] =	vst v32  }
0x209: {  	v58 =	vadd.s32 v17, v25;
	v28 =	vld.idx.msk [tilespmem:v28+s4+$0x0], $0xffff  }
0x20a: {  	[tilespmem:s24+$0x80] =	vst v30;
	v30 =	vld [tilespmem:s3+$0x210]  }
0x20b: {  	v63 =	vadd.s32 v19, v26;
	v33 =	vld.idx.msk [tilespmem:v56+s4+$0x0], $0xffff;
	[tilespmem:s24+$0xB0] =	vst v29  }
0x20c: {  	v59 =	vadd.s32 v19, v27;
	v29 =	vld.idx.msk [tilespmem:v57+s4+$0x0], $0xffff  }
0x20d: {  	v62 =	vld [tilespmem:s3+$0x230];
	v61 =	vadd.s32 v19, v24;
	[tilespmem:s24+$0x20] =	vst v31  }
0x20e: {  	v32 =	vld.idx.msk [tilespmem:v58+s4+$0x0], $0xffff  }
0x20f: {  	v44 =	vld [tilespmem:s3+$0x220];
	v50 =	vadd.s32 v20, v26;
	v45 =	vadd.s32 v18, v25;
	v31 =	vshra.s32 v30, $0x1F;
	[tilespmem:s24+$0x110] =	vst v28  }
0x210: {  	v47 =	vadd.s32 v20, v27;
	[tilespmem:s24+$0x100] =	vst v33;
	v30 =	vor.u32 v31, v30;
	v48 =	vld.idx.msk [tilespmem:v63+s4+$0x0], $0xffff  }
0x211: {  	v46 =	vadd.s32 v20, v24;
	v34 =	vld.idx.msk [tilespmem:v59+s4+$0x0], $0xffff;
	[tilespmem:s24+$0x130] =	vst v29;
	vm12 =	vlt.s32 v30, $0x200;
	v29 =	vshra.s32 v60, $0x1F  }
0x212: {  	v36 =	vld.idx.msk [tilespmem:v61+s4+$0x0], $0xffff;
	v30 =	vnsel vm12, $0x200, v30;
	v28 =	vor.u32 v29, v60;
	v29 =	vshra.s32 v62, $0x1F  }
0x213: {  	v31 =	vshll.u32 v30, $0x3;
	vm13 =	vlt.s32 v28, $0x200;
	[tilespmem:s24+$0xA0] =	vst v32;
	v29 =	vor.u32 v29, v62  }
0x214: {  	v49 =	vadd.s32 v16, v31;
	v28 =	vnsel vm13, $0x200, v28;
	v33 =	vld.idx.msk [tilespmem:v45+s4+$0x0], $0xffff;
	vm14 =	vlt.s32 v29, $0x200  }
0x215: {  	v51 =	vadd.s32 v19, v25;
	v30 =	vshll.u32 v28, $0x3;
	v28 =	vnsel vm14, $0x200, v29;
	[tilespmem:s24+$0x190] =	vst v48  }
0x216: {  	[tilespmem:s24+$0x180] =	vst v34;
	v28 =	vshll.u32 v28, $0x3;
	v53 =	vadd.s32 v16, v30;
	v37 =	vld.idx.msk [tilespmem:v50+s4+$0x0], $0xffff  }
0x217: {  	v29 =	vshra.s32 v44, $0x1F;
	v52 =	vld.idx.msk [tilespmem:v47+s4+$0x0], $0xffff;
	[tilespmem:s24+$0x1B0] =	vst v36;
	v54 =	vadd.s32 v16, v28  }
0x218: {  	v58 =	vadd.s32 v21, v26;
	v29 =	vor.u32 v29, v44;
	v55 =	vld.idx.msk [tilespmem:v46+s4+$0x0], $0xffff  }
0x219: {  	v63 =	vadd.s32 v21, v27;
	vm15 =	vlt.s32 v29, $0x200;
	v32 =	vld.idx.msk [tilespmem:v49+s4+$0x0], $0xffff;
	[tilespmem:s24+$0x120] =	vst v33  }
0x21a: {  	s30 =	sshll.u32 s25, $0xC;
	v57 =	vadd.s32 v17, v31;
	v29 =	vnsel vm15, $0x200, v29;
	v34 =	vld.idx.msk [tilespmem:v51+s4+$0x0], $0xffff  }
0x21b: {  	s0 =	sadd.s32 s26, s30;
	v56 =	vadd.s32 v21, v24;
	v29 =	vshll.u32 v29, $0x3;
	v59 =	vld.idx.msk [tilespmem:v53+s4+$0x0], $0xffff  }
0x21c: {  	s1 =	sor.u32 s29, s0;
	v60 =	vadd.s32 v16, v29;
	[tilespmem:s24+$0x210] =	vst v37;
	v36 =	vld.idx.msk [tilespmem:v54+s4+$0x0], $0xffff  }
0x21d: {  	s0 =	sadd.s32 $0x16180, s1;
	v61 =	vadd.s32 v17, v30;
	[tilespmem:s24+$0x200] =	vst v52;
	v35 =	vld.idx.msk [tilespmem:v58+s4+$0x0], $0xffff  }
0x21e: {  	v62 =	vadd.s32 v17, v28;
	v38 =	vld.idx.msk [tilespmem:v63+s4+$0x0], $0xffff;
	[tilespmem:s0+$0x10] =	vst v32  }
0x21f: {  	v43 =	vadd.s32 v20, v25;
	[tilespmem:s24+$0x230] =	vst v55;
	v39 =	vld.idx.msk [tilespmem:v57+s4+$0x0], $0xffff  }
0x220: {  	v42 =	vadd.s32 v18, v31;
	v32 =	vld.idx.msk [tilespmem:v56+s4+$0x0], $0xffff;
	[tilespmem:s1+$0x16180] =	vst v59  }
0x221: {  	v41 =	vld.idx.msk [tilespmem:v60+s4+$0x0], $0xffff;
	[tilespmem:s0+$0x30] =	vst v36;
	v36 =	vadd.s32 v22, v26  }
0x222: {  	v44 =	vadd.s32 v17, v29;
	v37 =	vld.idx.msk [tilespmem:v61+s4+$0x0], $0xffff  }
0x223: {  	s7 =	simm.s32 $0x400;
	s5 =	simm.s32 $0x4;
	v40 =	vadd.s32 v18, v30;
	[tilespmem:s24+$0x1A0] =	vst v34;
	v34 =	vadd.s32 v18, v28;
	v33 =	vld.idx.msk [tilespmem:v62+s4+$0x0], $0xffff  }
.LBB2_11:
0x224: {  	s5 =	sadd.s32 $0x4, s5;
	s1 =	sshrl.u32 s7, $0x2;
	[tilespmem:s0+$0x90] =	vst v39;
	v39 =	vld.idx.msk [tilespmem:v43+s4+$0x0], $0xffff  }
0x225: {  	v43 =	vadd.s32 v22, v27;
	s3 =	sshrl.u32 s5, $0x3;
	s1 =	sand.u32 $0x1FFFFC00, s1;
	p0 =	slt.u32 s5, $0x7C;
	v42 =	vld.idx.msk [tilespmem:v42+s4+$0x0], $0xffff;
	[tilespmem:s24+$0x290] =	vst v35  }
0x226: {  	s3 =	sand.u32 $0x3, s3;
	[tilespmem:s0+$0x20] =	vst v41;
	v35 =	vld.idx.msk [tilespmem:v36+s4+$0x0], $0xffff  }
0x227: {  	s2 =	sadd.s32 $0x40, s2;
	s6 =	sshll.u32 s3, $0x7;
	s3 =	sshll.u32 s3, $0xC;
	[tilespmem:s0+$0x80] =	vst v37;
	v36 =	vld.idx.msk [tilespmem:v44+s4+$0x0], $0xffff  }
0x228: {  	s9 =	sand.u32 $0x40, s2;
	s6 =	sor.u32 s6, s1;
	s1 =	sadd.s32 s1, s3;
	v37 =	vld.idx.msk [tilespmem:v40+s4+$0x0], $0xffff;
	[tilespmem:s0+$0xB0] =	vst v33  }
0x229: {  	s3 =	sor.u32 s9, s6;
	s10 =	sor.u32 s9, s1;
	v33 =	vld.idx.msk [tilespmem:v34+s4+$0x0], $0xffff;
	[tilespmem:s24+$0x280] =	vst v38  }
0x22a: {  	v34 =	vadd.s32 v19, v30;
	s1 =	sadd.s32 $0x11180, s3;
	v38 =	vld.idx.msk [tilespmem:v43+s4+$0x0], $0xffff;
	[tilespmem:s24+$0x220] =	vst v39  }
0x22b: {  	v40 =	vadd.s32 v19, v31;
	v39 =	vld [tilespmem:s1+$0x210];
	[tilespmem:s0+$0x110] =	vst v42  }
0x22c: {  	v41 =	vld [tilespmem:s1+$0x200];
	[tilespmem:s24+$0x310] =	vst v35;
	v35 =	vadd.s32 v21, v25  }
0x22d: {  	v43 =	vadd.s32 v19, v28;
	v42 =	vld [tilespmem:s1+$0x220];
	[tilespmem:s24+$0x2B0] =	vst v32  }
0x22e: {  	v44 =	vadd.s32 v22, v24;
	v32 =	vld [tilespmem:s1+$0x230];
	[tilespmem:s0+$0x100] =	vst v37;
	v37 =	vadd.s32 v23, v26;
	v26 =	vmov v31  }
0x22f: {  	v45 =	vadd.s32 v23, v27;
	v46 =	vadd.s32 v22, v25;
	v31 =	vadd.s32 v18, v29;
	v34 =	vld.idx.msk [tilespmem:v34+s4+$0x0], $0xffff  }
0x230: {  	v48 =	vadd.s32 v20, v28;
	v27 =	vmov v30;
	v47 =	vadd.s32 v20, v26;
	v40 =	vld.idx.msk [tilespmem:v40+s4+$0x0], $0xffff;
	[tilespmem:s24+$0x300] =	vst v38  }
0x231: {  	v49 =	vadd.s32 v20, v27;
	v38 =	vshra.s32 v39, $0x1F;
	v30 =	vshra.s32 v41, $0x1F;
	[tilespmem:s0+$0x130] =	vst v33;
	v33 =	vld.idx.msk [tilespmem:v35+s4+$0x0], $0xffff  }
0x232: {  	v35 =	vor.u32 v38, v39;
	v30 =	vor.u32 v30, v41;
	v38 =	vshra.s32 v42, $0x1F;
	v39 =	vld.idx.msk [tilespmem:v43+s4+$0x0], $0xffff  }
0x233: {  	vm1 =	vlt.s32 v35, $0x200;
	vm0 =	vlt.s32 v30, $0x200;
	v41 =	vshra.s32 v32, $0x1F;
	[tilespmem:s0+$0xA0] =	vst v36;
	v36 =	vld.idx.msk [tilespmem:v37+s4+$0x0], $0xffff  }
0x234: {  	v35 =	vnsel vm1, $0x200, v35;
	v30 =	vnsel vm0, $0x200, v30;
	v32 =	vor.u32 v41, v32;
	v37 =	vld.idx.msk [tilespmem:v31+s4+$0x0], $0xffff  }
0x235: {  	v31 =	vshll.u32 v35, $0x3;
	v30 =	vshll.u32 v30, $0x3;
	vm0 =	vlt.s32 v32, $0x200;
	[tilespmem:s0+$0x180] =	vst v34;
	v34 =	vld.idx.msk [tilespmem:v45+s4+$0x0], $0xffff  }
0x236: {  	v38 =	vor.u32 v38, v42;
	v35 =	vadd.s32 v16, v31;
	v32 =	vnsel vm0, $0x200, v32;
	v41 =	vld.idx.msk [tilespmem:v49+s4+$0x0], $0xffff;
	[tilespmem:s0+$0x190] =	vst v40  }
0x237: {  	vm0 =	vlt.s32 v38, $0x200;
	v40 =	vadd.s32 v19, v29;
	v32 =	vshll.u32 v32, $0x3;
	[tilespmem:s24+$0x2A0] =	vst v33;
	v33 =	vld.idx.msk [tilespmem:v44+s4+$0x0], $0xffff  }
0x238: {  	v42 =	vadd.s32 v16, v30;
	v38 =	vnsel vm0, $0x200, v38;
	[tilespmem:s0+$0x1B0] =	vst v39;
	v39 =	vld.idx.msk [tilespmem:v46+s4+$0x0], $0xffff  }
0x239: {  	v38 =	vshll.u32 v38, $0x3;
	v43 =	vadd.s32 v16, v32;
	v44 =	vld.idx.msk [tilespmem:v47+s4+$0x0], $0xffff;
	[tilespmem:s24+$0x390] =	vst v36;
	v36 =	vadd.s32 v23, v24  }
0x23a: {  	v24 =	vmov v28;
	v28 =	vmov v32;
	[tilespmem:s0+$0x120] =	vst v37;
	v37 =	vld.idx.msk [tilespmem:v48+s4+$0x0], $0xffff  }
0x23b: {  	v32 =	vld.idx.msk [tilespmem:v35+s4+$0x0], $0xffff;
	[tilespmem:s24+$0x380] =	vst v34;
	v34 =	vadd.s32 v23, v25;
	v25 =	vmov v29;
	v29 =	vmov v38  }
0x23c: {  	v38 =	vadd.s32 v21, v24;
	[tilespmem:s0+$0x200] =	vst v41;
	v35 =	vld.idx.msk [tilespmem:v40+s4+$0x0], $0xffff  }
0x23d: {  	v41 =	vadd.s32 v17, v31;
	v40 =	vld.idx.msk [tilespmem:v42+s4+$0x0], $0xffff;
	[tilespmem:s24+$0x330] =	vst v33  }
0x23e: {  	v33 =	vadd.s32 v21, v26;
	[tilespmem:s24+$0x320] =	vst v39;
	v45 =	vld.idx.msk [tilespmem:v36+s4+$0x0], $0xffff  }
0x23f: {  	v36 =	vadd.s32 v16, v29;
	v46 =	vld.idx.msk [tilespmem:v43+s4+$0x0], $0xffff;
	[tilespmem:s0+$0x210] =	vst v44  }
0x240: {  	s1 =	sadd.s32 $0x16180, s10;
	v47 =	vadd.s32 v17, v28;
	v44 =	vadd.s32 v17, v30;
	[tilespmem:s0+$0x230] =	vst v37;
	v34 =	vld.idx.msk [tilespmem:v34+s4+$0x0], $0xffff  }
0x241: {  	[tilespmem:s1+$0x10] =	vst v32;
	v32 =	vld.idx.msk [tilespmem:v38+s4+$0x0], $0xffff  }
0x242: {  	v38 =	vadd.s32 v21, v27;
	v39 =	vld.idx.msk [tilespmem:v41+s4+$0x0], $0xffff;
	[tilespmem:s0+$0x1A0] =	vst v35  }
.Ltmp4:
0x243: {  	v43 =	vadd.s32 v20, v25;
	v35 =	vld.idx.msk [tilespmem:v33+s4+$0x0], $0xffff;
	(pc) =	sbr.rel @p0 .LBB2_11-.Ltmp4, $4  }
0x244: {  	v42 =	vadd.s32 v18, v31;
	[tilespmem:s10+$0x16180] =	vst v40;
	v41 =	vld.idx.msk [tilespmem:v36+s4+$0x0], $0xffff  }
0x245: {  	v36 =	vadd.s32 v22, v26;
	v37 =	vld.idx.msk [tilespmem:v44+s4+$0x0], $0xffff;
	[tilespmem:s1+$0x30] =	vst v46  }
0x246: {  	v44 =	vadd.s32 v17, v29;
	v33 =	vld.idx.msk [tilespmem:v47+s4+$0x0], $0xffff;
	[tilespmem:s24+$0x3A0] =	vst v34  }
0x247: {  	s7 =	sadd.s32 $0x200, s7;
	v40 =	vadd.s32 v18, v30;
	v34 =	vadd.s32 v18, v28;
	v38 =	vld.idx.msk [tilespmem:v38+s4+$0x0], $0xffff;
	[tilespmem:s24+$0x3B0] =	vst v45;
	s24 =	smov.u32 s0;
	s0 =	smov.u32 s1  }
0x248: {  	_ =	sdelay $0x2  }
0x249: {  	[tilespmem:s0+$0x20] =	vst v41  }
0x24a: {  	v41 =	vld.idx.msk [tilespmem:v44+s4+$0x0], $0xffff  }
0x24b: {  	v60 =	vadd.s32 v18, v29;
	[tilespmem:s0+$0x90] =	vst v39  }
0x24c: {  	[tilespmem:s24+$0x290] =	vst v35  }
0x24d: {  	v62 =	vld.idx.msk [tilespmem:v42+s4+$0x0], $0xffff;
	[tilespmem:s0+$0x80] =	vst v37  }
0x24e: {  	v63 =	vadd.s32 v19, v31;
	v37 =	vld.idx.msk [tilespmem:v40+s4+$0x0], $0xffff;
	[tilespmem:s0+$0xB0] =	vst v33  }
0x24f: {  	v45 =	vadd.s32 v19, v30;
	v34 =	vld.idx.msk [tilespmem:v34+s4+$0x0], $0xffff;
	[tilespmem:s0+$0xA0] =	vst v41  }
0x250: {  	v47 =	vadd.s32 v19, v28;
	[tilespmem:s24+$0x2B0] =	vst v32;
	v41 =	vld.idx.msk [tilespmem:v60+s4+$0x0], $0xffff  }
0x251: {  	v61 =	vld.idx.msk [tilespmem:v43+s4+$0x0], $0xffff;
	v46 =	vadd.s32 v19, v29;
	[tilespmem:s24+$0x280] =	vst v38  }
0x252: {  	v48 =	vadd.s32 v22, v27;
	v36 =	vld.idx.msk [tilespmem:v36+s4+$0x0], $0xffff;
	[tilespmem:s0+$0x110] =	vst v62  }
0x253: {  	v49 =	vadd.s32 v21, v25;
	v50 =	vld.idx.msk [tilespmem:v63+s4+$0x0], $0xffff;
	[tilespmem:s0+$0x100] =	vst v37  }
0x254: {  	v51 =	vadd.s32 v20, v31;
	v33 =	vld.idx.msk [tilespmem:v45+s4+$0x0], $0xffff;
	[tilespmem:s0+$0x130] =	vst v34  }
0x255: {  	v52 =	vadd.s32 v20, v30;
	v54 =	vld.idx.msk [tilespmem:v47+s4+$0x0], $0xffff;
	[tilespmem:s0+$0x120] =	vst v41  }
0x256: {  	v57 =	vadd.s32 v20, v28;
	[tilespmem:s24+$0x220] =	vst v61;
	v53 =	vld.idx.msk [tilespmem:v46+s4+$0x0], $0xffff  }
0x257: {  	v55 =	vadd.s32 v20, v29;
	v56 =	vld.idx.msk [tilespmem:v48+s4+$0x0], $0xffff;
	[tilespmem:s24+$0x310] =	vst v36  }
0x258: {  	v26 =	vadd.s32 v23, v26;
	v35 =	vld.idx.msk [tilespmem:v49+s4+$0x0], $0xffff;
	[tilespmem:s0+$0x190] =	vst v50  }
0x259: {  	v58 =	vadd.s32 v23, v27;
	v59 =	vld.idx.msk [tilespmem:v51+s4+$0x0], $0xffff;
	[tilespmem:s0+$0x180] =	vst v33  }
0x25a: {  	v61 =	vadd.s32 v21, v31;
	v60 =	vld.idx.msk [tilespmem:v52+s4+$0x0], $0xffff;
	[tilespmem:s0+$0x1B0] =	vst v54  }
0x25b: {  	v62 =	vadd.s32 v21, v30;
	v32 =	vld.idx.msk [tilespmem:v57+s4+$0x0], $0xffff;
	[tilespmem:s0+$0x1A0] =	vst v53  }
0x25c: {  	v45 =	vadd.s32 v21, v28;
	[tilespmem:s24+$0x300] =	vst v56;
	v63 =	vld.idx.msk [tilespmem:v55+s4+$0x0], $0xffff  }
0x25d: {  	v44 =	vadd.s32 v21, v29;
	v26 =	vld.idx.msk [tilespmem:v26+s4+$0x0], $0xffff;
	[tilespmem:s24+$0x2A0] =	vst v35  }
0x25e: {  	v47 =	vadd.s32 v22, v24;
	v27 =	vld.idx.msk [tilespmem:v58+s4+$0x0], $0xffff;
	[tilespmem:s0+$0x210] =	vst v59  }
0x25f: {  	v46 =	vadd.s32 v22, v25;
	v48 =	vld.idx.msk [tilespmem:v61+s4+$0x0], $0xffff;
	[tilespmem:s0+$0x200] =	vst v60  }
0x260: {  	v49 =	vadd.s32 v22, v31;
	v34 =	vld.idx.msk [tilespmem:v62+s4+$0x0], $0xffff;
	[tilespmem:s0+$0x230] =	vst v32  }
0x261: {  	v50 =	vadd.s32 v22, v30;
	v51 =	vld.idx.msk [tilespmem:v45+s4+$0x0], $0xffff;
	[tilespmem:s0+$0x220] =	vst v63  }
0x262: {  	[tilespmem:s24+$0x390] =	vst v26;
	v54 =	vadd.s32 v22, v28;
	v36 =	vld.idx.msk [tilespmem:v44+s4+$0x0], $0xffff  }
0x263: {  	v52 =	vadd.s32 v22, v29;
	v33 =	vld.idx.msk [tilespmem:v47+s4+$0x0], $0xffff;
	[tilespmem:s24+$0x380] =	vst v27  }
0x264: {  	v56 =	vadd.s32 v23, v24;
	v53 =	vld.idx.msk [tilespmem:v46+s4+$0x0], $0xffff;
	[tilespmem:s0+$0x290] =	vst v48  }
0x265: {  	v55 =	vadd.s32 v23, v25;
	v37 =	vld.idx.msk [tilespmem:v49+s4+$0x0], $0xffff;
	[tilespmem:s0+$0x280] =	vst v34  }
0x266: {  	v57 =	vadd.s32 v23, v31;
	v32 =	vld.idx.msk [tilespmem:v50+s4+$0x0], $0xffff;
	[tilespmem:s0+$0x2B0] =	vst v51  }
0x267: {  	v58 =	vadd.s32 v23, v30;
	v27 =	vld.idx.msk [tilespmem:v54+s4+$0x0], $0xffff;
	[tilespmem:s0+$0x2A0] =	vst v36  }
0x268: {  	v61 =	vadd.s32 v23, v28;
	[tilespmem:s24+$0x330] =	vst v33;
	v59 =	vld.idx.msk [tilespmem:v52+s4+$0x0], $0xffff  }
0x269: {  	v60 =	vadd.s32 v23, v29;
	v24 =	vld.idx.msk [tilespmem:v56+s4+$0x0], $0xffff;
	[tilespmem:s24+$0x320] =	vst v53  }
0x26a: {  	v25 =	vld.idx.msk [tilespmem:v55+s4+$0x0], $0xffff;
	[tilespmem:s0+$0x310] =	vst v37  }
0x26b: {  	v31 =	vld.idx.msk [tilespmem:v57+s4+$0x0], $0xffff;
	[tilespmem:s0+$0x300] =	vst v32  }
0x26c: {  	v26 =	vld.idx.msk [tilespmem:v58+s4+$0x0], $0xffff;
	[tilespmem:s0+$0x330] =	vst v27  }
0x26d: {  	v63 =	vld.idx.msk [tilespmem:v61+s4+$0x0], $0xffff;
	[tilespmem:s0+$0x320] =	vst v59  }
0x26e: {  	s22 =	sadd.s32 $0x1, s22;
	[tilespmem:s24+$0x3B0] =	vst v24;
	v62 =	vld.idx.msk [tilespmem:v60+s4+$0x0], $0xffff  }
0x26f: {  	p0 =	sne.s32 s22, $0x40;
	[tilespmem:s24+$0x3A0] =	vst v25  }
.Ltmp5:
0x270: {  	[tilespmem:s0+$0x390] =	vst v31;
	(pc) =	sbr.rel @p0 .LBB2_4-.Ltmp5, $4  }
0x271: {  	[tilespmem:s0+$0x380] =	vst v26  }
0x272: {  	[tilespmem:s0+$0x3B0] =	vst v63  }
0x273: {  	s30 =	sadd.s32 s23, s8;
	s1 =	simm.s32 $0x16180;
	[tilespmem:s0+$0x3A0] =	vst v62  }
0x274: {  	[hbm4b:s30+s4] =	stream.linear.scatter [tilespmem:s1], [sflag:$0x4], $0x4000, $0x38;
	[tilespmem:$0x1A180] =	vst v63  }
0x275: {  	_ =	swait.ge [sflag:s18], $0x4000  }
0x276: {  	[sflag:s18] =	ssyncset.done $0x0  }
0x277: {  	[sflag:s18] =	ssyncadd.s32 $0xFFFFC000  }
0x278: {  	_ =	swait.ge [sflag:s19], $0x4000  }
0x279: {  	s1 =	rddreg [dreg:$0x9]  }
0x27a: {  	s0 =	rddreg [dreg:$0x8];
	s1 =	sadd.s32 $0x1, s1  }
0x27b: {  	p0 =	sne.s32 s1, s0  }
.Ltmp6:
0x27c: {  	_ = 	snop;
	(pc) =	sbr.rel @p0 .LBB2_1-.Ltmp6, $3  }
0x27d: {  	_ =	sdelay $0x1  }
0x27e: {  	[sflag:s19] =	ssyncset.done $0x0  }
0x27f: {  	[sflag:s19] =	ssyncadd.s32 $0xFFFFC000  }
0x280: {  	_ =	sfence.sel $0x180000  }
0x281: {  	[bflag:$0x0] =	sbarrier.arrive $0xFFFF  }
0x282: {  	_ =	strace $0x90000047  }
0x283: {  	s0 =	stileid.u32;
	[bflag:$0x2] =	sbarrier.arrive $0xFFFF  }
0x284: {  	p0 =	sne.s32 s0, $0x0;
	s0 =	rddreg [dreg:$0x3]  }
0x285: {  	s0 =	sadd.s32 @!p0 $0x100000, s0  }
0x286: {  	[sflag:s0] =	ssyncadd.tile.s32 @!p0 $0x1;
	_ =	shalt  }
.Lfunc_end2:
_tile_overlayer_lowered:
.L_overlay_start_2:
0x287: {  	(tag) =	ssettag $0x2  }
0x288: {  	s0 =	rddreg [dreg:$0x0];
	s2 =	stileid.u32  }
0x289: {  	s1 =	rddreg [dreg:$0x1];
	p0 =	sne.s32 s2, $0x0  }
0x28a: {  	s3 =	rddreg [dreg:$0x2];
	[bflag:$0x3] =	sbarrier.arrive $0xFFFF;
	s2 =	simm.s32 @!p0 $0x1C05  }
0x28b: {  	[timem:s3], [sflag:s2] =	dma.local @!p0 [hbm:s0], s1  }
0x28c: {  	s0 =	simm.s32 @!p0 $0x5  }
0x28d: {  	_ =	swait.ge @!p0 [sflag:s0], s1  }
0x28e: {  	s1 =	ssub.s32 @!p0 $0x0, s1;
	[sflag:s0] =	ssyncset.done @!p0 $0x0  }
0x28f: {  	[sflag:s0] =	ssyncadd.s32 @!p0 s1  }
0x290: {  	[bflag:$0x3] =	sbarrier.arrive $0xFFFF  }
0x291: {  	_ =	shalt  }

</sc_bundles>
